<compile_context>
chip_gen: v7x
topology: tpu7x:2x2x1
jax: 0.10.2.dev20260603
libtpu: 0.0.44.dev20260713+nightly
codegen_flags: <defaults>
</compile_context>

<pallas_src>
import functools

import jax
import jax.numpy as jnp
from jax import lax
from jax.experimental import pallas as pl
from jax.experimental.pallas import tpu as pltpu
from jax.experimental.pallas import tpu_sc as plsc

_NUM_CORES = 2
_NUM_SUBCORES = 16
_NUM_WORKERS = _NUM_CORES * _NUM_SUBCORES
_LANES = 16


def _make_sc_gather(num_offsets: int, num_heads: int, num_pos: int):
    assert num_pos % (_NUM_WORKERS * _LANES) == 0
    chunk = num_pos // _NUM_WORKERS
    table_words = num_offsets * num_heads
    mesh = plsc.VectorSubcoreMesh(
        core_axis_name="c", subcore_axis_name="s",
        num_cores=_NUM_CORES, num_subcores=_NUM_SUBCORES)

    @functools.partial(
        pl.kernel,
        out_type=jax.ShapeDtypeStruct((num_heads, num_pos), jnp.float32),
        mesh=mesh,
        scratch_types=[
            pltpu.VMEM((table_words,), jnp.float32),
            pltpu.VMEM((chunk,), jnp.int32),
            pltpu.VMEM((num_heads, chunk), jnp.float32),
        ],
        compiler_params=pltpu.CompilerParams(needs_layout_passes=False),
    )
    def sc_gather(table_hbm, idx_hbm, out_hbm, table_v, idx_v, out_v):
        wid = lax.axis_index("s") * _NUM_CORES + lax.axis_index("c")
        base = wid * chunk
        pltpu.sync_copy(table_hbm, table_v)
        pltpu.sync_copy(idx_hbm.at[pl.ds(base, chunk)], idx_v)

        def body(g, carry):
            iv = idx_v[pl.ds(g * _LANES, _LANES)]
            flat_base = iv * num_heads
            for h in range(num_heads):
                out_v[h, pl.ds(g * _LANES, _LANES)] = plsc.load_gather(
                    table_v, [flat_base + h])
            return carry

        lax.fori_loop(0, chunk // _LANES, body, 0)

        for h in range(num_heads):
            pltpu.sync_copy(out_v.at[h], out_hbm.at[h, pl.ds(base, chunk)])

    return sc_gather


def kernel(bias_table, relative_position_index):
    num_offsets, num_heads = bias_table.shape
    w2 = relative_position_index.shape[0]
    num_pos = w2 * relative_position_index.shape[1]
    table_flat = bias_table.reshape(-1).astype(jnp.float32)
    idx_flat = relative_position_index.reshape(-1).astype(jnp.int32)
    out = _make_sc_gather(num_offsets, num_heads, num_pos)(table_flat, idx_flat)
    return out.reshape(num_heads, w2, relative_position_index.shape[1])

# --- scband reference (transcript-rebuilt; emitter-appended) ---
"""Pipeline reference for scband-relative-position-bias-45397804319459 (READ-ONLY COPY).

The authoritative reference and input builder live on the scoring server;
editing this copy changes nothing except your own understanding.
"""

import jax, jax.numpy as jnp
import numpy as np

WINDOW_SIZE = 16
NUM_HEADS = 16


def _make_relative_position_index(window_size):
    coords = np.arange(window_size)
    gy, gx = np.meshgrid(coords, coords, indexing='ij')
    flat = np.stack([gy.reshape(-1), gx.reshape(-1)])  # [2, W*W]
    rel = flat[:, :, None] - flat[:, None, :]          # [2, W2, W2]
    rel = rel.transpose(1, 2, 0).copy()                # [W2, W2, 2]
    rel[:, :, 0] += window_size - 1
    rel[:, :, 1] += window_size - 1
    rel[:, :, 0] *= 2 * window_size - 1
    idx = rel.sum(-1).astype(np.int64)                 # [W2, W2]
    return idx


def setup_inputs(seed: int = 0) -> dict:
    key = jax.random.key(seed)
    num_offsets = (2 * WINDOW_SIZE - 1) ** 2
    bias_table = jax.random.normal(key, (num_offsets, NUM_HEADS), dtype=jnp.float32) * 0.02
    idx = jnp.asarray(_make_relative_position_index(WINDOW_SIZE))
    return {"bias_table": bias_table, "relative_position_index": idx}


def reference(bias_table, relative_position_index):
    W2 = WINDOW_SIZE ** 2
    idx_flat = relative_position_index.reshape(-1)
    bias = jnp.take(bias_table, idx_flat, axis=0)       # [W2*W2, H] gather
    bias = bias.reshape(W2, W2, NUM_HEADS)
    bias = jnp.transpose(bias, (2, 0, 1))               # [H, W2, W2]
    return bias

if __name__ == "__main__":
    import jax
    _d = setup_inputs()
    print(jax.jit(kernel)(*tuple(_d.values())))

</pallas_src>

<mosaic_0001>
#map = affine_map<(d0, d1) -> (0)>
#map1 = affine_map<(d0, d1) -> (0, 0)>
module attributes {stable_mosaic.version = 14 : i64} {
  func.func @sc_gather(%arg0: i32, %arg1: i32, %arg2: memref<15376xf32, #tpu.memory_space<hbm>>, %arg3: memref<65536xi32, #tpu.memory_space<hbm>>, %arg4: memref<16x65536xf32, #tpu.memory_space<hbm>>, %arg5: memref<15376xf32, #tpu.memory_space<vmem>>, %arg6: memref<2048xi32, #tpu.memory_space<vmem>>, %arg7: memref<16x2048xf32, #tpu.memory_space<vmem>>) attributes {dimension_semantics = [#tpu.dimension_semantics<core_parallel>, #tpu.dimension_semantics<subcore_parallel>], iteration_bounds = array<i64: 2, 16>, scalar_prefetch = 0 : i64, scratch_operands = 3 : i64, tpu.core_type = #tpu.core_type<sc_vector_subcore>, window_params = [{transform_indices = #map}, {transform_indices = #map}, {transform_indices = #map1}]} {
    %mul3A = arith.constant 2 : i32
    %mul3A_0 = arith.muli %arg1, %mul3A : i32
    %add3A = arith.addi %mul3A_0, %arg0 : i32
    %mul3A_1 = arith.constant 2048 : i32
    %mul3A_2 = arith.muli %add3A, %mul3A_1 : i32
    "tpu.region"() ({
      %run_scoped3A_39 = tpu.sem_alloc : memref<!tpu.dma_semaphore, #tpu.memory_space<semaphore_mem>>
      tpu.enqueue_dma source(%arg2 : memref<15376xf32, #tpu.memory_space<hbm>>) target(%arg5 : memref<15376xf32, #tpu.memory_space<vmem>>) target_semaphore(%run_scoped3A_39 : memref<!tpu.dma_semaphore, #tpu.memory_space<semaphore_mem>>)
      tpu.wait_dma2 semaphore(%run_scoped3A_39 : memref<!tpu.dma_semaphore, #tpu.memory_space<semaphore_mem>>) src(%arg2 : memref<15376xf32, #tpu.memory_space<hbm>>) dst(%arg5 : memref<15376xf32, #tpu.memory_space<vmem>>)
      tpu.yield
    }) : () -> ()
    "tpu.region"() ({
      %run_scoped3A_39 = tpu.sem_alloc : memref<!tpu.dma_semaphore, #tpu.memory_space<semaphore_mem>>
      %dma_start3A = tpu.memref_slice %arg3[%mul3A_2] : memref<65536xi32, #tpu.memory_space<hbm>> -> memref<2048xi32, #tpu.memory_space<hbm>>
      %dma_start3A_40 = tpu.memref_slice %arg3[%mul3A_2] : memref<65536xi32, #tpu.memory_space<hbm>> -> memref<2048xi32, #tpu.memory_space<hbm>>
      tpu.enqueue_dma source(%dma_start3A_40 : memref<2048xi32, #tpu.memory_space<hbm>>) target(%arg6 : memref<2048xi32, #tpu.memory_space<vmem>>) target_semaphore(%run_scoped3A_39 : memref<!tpu.dma_semaphore, #tpu.memory_space<semaphore_mem>>)
      %dma_wait3A = tpu.memref_slice %arg3[%mul3A_2] : memref<65536xi32, #tpu.memory_space<hbm>> -> memref<2048xi32, #tpu.memory_space<hbm>>
      %dma_wait3A_41 = tpu.memref_slice %arg3[%mul3A_2] : memref<65536xi32, #tpu.memory_space<hbm>> -> memref<2048xi32, #tpu.memory_space<hbm>>
      tpu.wait_dma2 semaphore(%run_scoped3A_39 : memref<!tpu.dma_semaphore, #tpu.memory_space<semaphore_mem>>) src(%dma_wait3A_41 : memref<2048xi32, #tpu.memory_space<hbm>>) dst(%arg6 : memref<2048xi32, #tpu.memory_space<vmem>>)
      tpu.yield
    }) : () -> ()
    %scan3A = arith.constant 0 : i32
    %scan3A_3 = arith.constant 0 : i32
    %scan3A_4 = arith.constant 128 : i32
    %scan3A_5 = arith.addi %scan3A_3, %scan3A_4 : i32
    %scan3A_6 = arith.constant 1 : i32
    scf.for %scan3A_39 = %scan3A_3 to %scan3A_5 step %scan3A_6  : i32 {
      %mul3A_40 = arith.constant 16 : i32
      %mul3A_41 = arith.muli %scan3A_39, %mul3A_40 : i32
      %get3A = arith.index_cast %mul3A_41 : i32 to index
      %get3A_42 = tpu.vector_load %arg6[%get3A] {strides = array<i32>} : memref<2048xi32, #tpu.memory_space<vmem>>, vector<16xi32>,
      %mul3A_43 = arith.constant 16 : i32
      %mul3A_44 = vector.broadcast %mul3A_43 : i32 to vector<16xi32>
      %mul3A_45 = arith.muli %get3A_42, %mul3A_44 : vector<16xi32>
      %add3A_46 = arith.constant 0 : i32
      %add3A_47 = vector.broadcast %add3A_46 : i32 to vector<16xi32>
      %add3A_48 = arith.addi %mul3A_45, %add3A_47 : vector<16xi32>
      %gather3A = tpu.vector_load_idx %arg5[%add3A_48] : memref<15376xf32, #tpu.memory_space<vmem>>[vector<16xi32>], vector<16xf32>,
      %mul3A_49 = arith.constant 16 : i32
      %mul3A_50 = arith.muli %scan3A_39, %mul3A_49 : i32
      %swap3A = arith.constant 0 : i32
      %swap3A_51 = arith.index_cast %swap3A : i32 to index
      %swap3A_52 = arith.index_cast %mul3A_50 : i32 to index
      %swap3A_53 = tpu.vector_load %arg7[%swap3A_51, %swap3A_52] {strides = array<i32>} : memref<16x2048xf32, #tpu.memory_space<vmem>>, vector<16xf32>,
      tpu.vector_store %arg7[%swap3A_51, %swap3A_52], %gather3A {strides = array<i32>} : memref<16x2048xf32, #tpu.memory_space<vmem>>, vector<16xf32>,
      %add3A_54 = arith.constant 1 : i32
      %add3A_55 = vector.broadcast %add3A_54 : i32 to vector<16xi32>
      %add3A_56 = arith.addi %mul3A_45, %add3A_55 : vector<16xi32>
      %gather3A_57 = tpu.vector_load_idx %arg5[%add3A_56] : memref<15376xf32, #tpu.memory_space<vmem>>[vector<16xi32>], vector<16xf32>,
      %mul3A_58 = arith.constant 16 : i32
      %mul3A_59 = arith.muli %scan3A_39, %mul3A_58 : i32
      %swap3A_60 = arith.constant 1 : i32
      %swap3A_61 = arith.index_cast %swap3A_60 : i32 to index
      %swap3A_62 = arith.index_cast %mul3A_59 : i32 to index
      %swap3A_63 = tpu.vector_load %arg7[%swap3A_61, %swap3A_62] {strides = array<i32>} : memref<16x2048xf32, #tpu.memory_space<vmem>>, vector<16xf32>,
      tpu.vector_store %arg7[%swap3A_61, %swap3A_62], %gather3A_57 {strides = array<i32>} : memref<16x2048xf32, #tpu.memory_space<vmem>>, vector<16xf32>,
      %add3A_64 = arith.constant 2 : i32
      %add3A_65 = vector.broadcast %add3A_64 : i32 to vector<16xi32>
      %add3A_66 = arith.addi %mul3A_45, %add3A_65 : vector<16xi32>
      %gather3A_67 = tpu.vector_load_idx %arg5[%add3A_66] : memref<15376xf32, #tpu.memory_space<vmem>>[vector<16xi32>], vector<16xf32>,
      %mul3A_68 = arith.constant 16 : i32
      %mul3A_69 = arith.muli %scan3A_39, %mul3A_68 : i32
      %swap3A_70 = arith.constant 2 : i32
      %swap3A_71 = arith.index_cast %swap3A_70 : i32 to index
      %swap3A_72 = arith.index_cast %mul3A_69 : i32 to index
      %swap3A_73 = tpu.vector_load %arg7[%swap3A_71, %swap3A_72] {strides = array<i32>} : memref<16x2048xf32, #tpu.memory_space<vmem>>, vector<16xf32>,
      tpu.vector_store %arg7[%swap3A_71, %swap3A_72], %gather3A_67 {strides = array<i32>} : memref<16x2048xf32, #tpu.memory_space<vmem>>, vector<16xf32>,
      %add3A_74 = arith.constant 3 : i32
      %add3A_75 = vector.broadcast %add3A_74 : i32 to vector<16xi32>
      %add3A_76 = arith.addi %mul3A_45, %add3A_75 : vector<16xi32>
      %gather3A_77 = tpu.vector_load_idx %arg5[%add3A_76] : memref<15376xf32, #tpu.memory_space<vmem>>[vector<16xi32>], vector<16xf32>,
      %mul3A_78 = arith.constant 16 : i32
      %mul3A_79 = arith.muli %scan3A_39, %mul3A_78 : i32
      %swap3A_80 = arith.constant 3 : i32
      %swap3A_81 = arith.index_cast %swap3A_80 : i32 to index
      %swap3A_82 = arith.index_cast %mul3A_79 : i32 to index
      %swap3A_83 = tpu.vector_load %arg7[%swap3A_81, %swap3A_82] {strides = array<i32>} : memref<16x2048xf32, #tpu.memory_space<vmem>>, vector<16xf32>,
      tpu.vector_store %arg7[%swap3A_81, %swap3A_82], %gather3A_77 {strides = array<i32>} : memref<16x2048xf32, #tpu.memory_space<vmem>>, vector<16xf32>,
      %add3A_84 = arith.constant 4 : i32
      %add3A_85 = vector.broadcast %add3A_84 : i32 to vector<16xi32>
      %add3A_86 = arith.addi %mul3A_45, %add3A_85 : vector<16xi32>
      %gather3A_87 = tpu.vector_load_idx %arg5[%add3A_86] : memref<15376xf32, #tpu.memory_space<vmem>>[vector<16xi32>], vector<16xf32>,
      %mul3A_88 = arith.constant 16 : i32
      %mul3A_89 = arith.muli %scan3A_39, %mul3A_88 : i32
      %swap3A_90 = arith.constant 4 : i32
      %swap3A_91 = arith.index_cast %swap3A_90 : i32 to index
      %swap3A_92 = arith.index_cast %mul3A_89 : i32 to index
      %swap3A_93 = tpu.vector_load %arg7[%swap3A_91, %swap3A_92] {strides = array<i32>} : memref<16x2048xf32, #tpu.memory_space<vmem>>, vector<16xf32>,
      tpu.vector_store %arg7[%swap3A_91, %swap3A_92], %gather3A_87 {strides = array<i32>} : memref<16x2048xf32, #tpu.memory_space<vmem>>, vector<16xf32>,
      %add3A_94 = arith.constant 5 : i32
      %add3A_95 = vector.broadcast %add3A_94 : i32 to vector<16xi32>
      %add3A_96 = arith.addi %mul3A_45, %add3A_95 : vector<16xi32>
      %gather3A_97 = tpu.vector_load_idx %arg5[%add3A_96] : memref<15376xf32, #tpu.memory_space<vmem>>[vector<16xi32>], vector<16xf32>,
      %mul3A_98 = arith.constant 16 : i32
      %mul3A_99 = arith.muli %scan3A_39, %mul3A_98 : i32
      %swap3A_100 = arith.constant 5 : i32
      %swap3A_101 = arith.index_cast %swap3A_100 : i32 to index
      %swap3A_102 = arith.index_cast %mul3A_99 : i32 to index
      %swap3A_103 = tpu.vector_load %arg7[%swap3A_101, %swap3A_102] {strides = array<i32>} : memref<16x2048xf32, #tpu.memory_space<vmem>>, vector<16xf32>,
      tpu.vector_store %arg7[%swap3A_101, %swap3A_102], %gather3A_97 {strides = array<i32>} : memref<16x2048xf32, #tpu.memory_space<vmem>>, vector<16xf32>,
      %add3A_104 = arith.constant 6 : i32
      %add3A_105 = vector.broadcast %add3A_104 : i32 to vector<16xi32>
      %add3A_106 = arith.addi %mul3A_45, %add3A_105 : vector<16xi32>
      %gather3A_107 = tpu.vector_load_idx %arg5[%add3A_106] : memref<15376xf32, #tpu.memory_space<vmem>>[vector<16xi32>], vector<16xf32>,
      %mul3A_108 = arith.constant 16 : i32
      %mul3A_109 = arith.muli %scan3A_39, %mul3A_108 : i32
      %swap3A_110 = arith.constant 6 : i32
      %swap3A_111 = arith.index_cast %swap3A_110 : i32 to index
      %swap3A_112 = arith.index_cast %mul3A_109 : i32 to index
      %swap3A_113 = tpu.vector_load %arg7[%swap3A_111, %swap3A_112] {strides = array<i32>} : memref<16x2048xf32, #tpu.memory_space<vmem>>, vector<16xf32>,
      tpu.vector_store %arg7[%swap3A_111, %swap3A_112], %gather3A_107 {strides = array<i32>} : memref<16x2048xf32, #tpu.memory_space<vmem>>, vector<16xf32>,
      %add3A_114 = arith.constant 7 : i32
      %add3A_115 = vector.broadcast %add3A_114 : i32 to vector<16xi32>
      %add3A_116 = arith.addi %mul3A_45, %add3A_115 : vector<16xi32>
      %gather3A_117 = tpu.vector_load_idx %arg5[%add3A_116] : memref<15376xf32, #tpu.memory_space<vmem>>[vector<16xi32>], vector<16xf32>,
      %mul3A_118 = arith.constant 16 : i32
      %mul3A_119 = arith.muli %scan3A_39, %mul3A_118 : i32
      %swap3A_120 = arith.constant 7 : i32
      %swap3A_121 = arith.index_cast %swap3A_120 : i32 to index
      %swap3A_122 = arith.index_cast %mul3A_119 : i32 to index
      %swap3A_123 = tpu.vector_load %arg7[%swap3A_121, %swap3A_122] {strides = array<i32>} : memref<16x2048xf32, #tpu.memory_space<vmem>>, vector<16xf32>,
      tpu.vector_store %arg7[%swap3A_121, %swap3A_122], %gather3A_117 {strides = array<i32>} : memref<16x2048xf32, #tpu.memory_space<vmem>>, vector<16xf32>,
      %add3A_124 = arith.constant 8 : i32
      %add3A_125 = vector.broadcast %add3A_124 : i32 to vector<16xi32>
      %add3A_126 = arith.addi %mul3A_45, %add3A_125 : vector<16xi32>
      %gather3A_127 = tpu.vector_load_idx %arg5[%add3A_126] : memref<15376xf32, #tpu.memory_space<vmem>>[vector<16xi32>], vector<16xf32>,
      %mul3A_128 = arith.constant 16 : i32
      %mul3A_129 = arith.muli %scan3A_39, %mul3A_128 : i32
      %swap3A_130 = arith.constant 8 : i32
      %swap3A_131 = arith.index_cast %swap3A_130 : i32 to index
      %swap3A_132 = arith.index_cast %mul3A_129 : i32 to index
      %swap3A_133 = tpu.vector_load %arg7[%swap3A_131, %swap3A_132] {strides = array<i32>} : memref<16x2048xf32, #tpu.memory_space<vmem>>, vector<16xf32>,
      tpu.vector_store %arg7[%swap3A_131, %swap3A_132], %gather3A_127 {strides = array<i32>} : memref<16x2048xf32, #tpu.memory_space<vmem>>, vector<16xf32>,
      %add3A_134 = arith.constant 9 : i32
      %add3A_135 = vector.broadcast %add3A_134 : i32 to vector<16xi32>
      %add3A_136 = arith.addi %mul3A_45, %add3A_135 : vector<16xi32>
      %gather3A_137 = tpu.vector_load_idx %arg5[%add3A_136] : memref<15376xf32, #tpu.memory_space<vmem>>[vector<16xi32>], vector<16xf32>,
      %mul3A_138 = arith.constant 16 : i32
      %mul3A_139 = arith.muli %scan3A_39, %mul3A_138 : i32
      %swap3A_140 = arith.constant 9 : i32
      %swap3A_141 = arith.index_cast %swap3A_140 : i32 to index
      %swap3A_142 = arith.index_cast %mul3A_139 : i32 to index
      %swap3A_143 = tpu.vector_load %arg7[%swap3A_141, %swap3A_142] {strides = array<i32>} : memref<16x2048xf32, #tpu.memory_space<vmem>>, vector<16xf32>,
      tpu.vector_store %arg7[%swap3A_141, %swap3A_142], %gather3A_137 {strides = array<i32>} : memref<16x2048xf32, #tpu.memory_space<vmem>>, vector<16xf32>,
      %add3A_144 = arith.constant 10 : i32
      %add3A_145 = vector.broadcast %add3A_144 : i32 to vector<16xi32>
      %add3A_146 = arith.addi %mul3A_45, %add3A_145 : vector<16xi32>
      %gather3A_147 = tpu.vector_load_idx %arg5[%add3A_146] : memref<15376xf32, #tpu.memory_space<vmem>>[vector<16xi32>], vector<16xf32>,
      %mul3A_148 = arith.constant 16 : i32
      %mul3A_149 = arith.muli %scan3A_39, %mul3A_148 : i32
      %swap3A_150 = arith.constant 10 : i32
      %swap3A_151 = arith.index_cast %swap3A_150 : i32 to index
      %swap3A_152 = arith.index_cast %mul3A_149 : i32 to index
      %swap3A_153 = tpu.vector_load %arg7[%swap3A_151, %swap3A_152] {strides = array<i32>} : memref<16x2048xf32, #tpu.memory_space<vmem>>, vector<16xf32>,
      tpu.vector_store %arg7[%swap3A_151, %swap3A_152], %gather3A_147 {strides = array<i32>} : memref<16x2048xf32, #tpu.memory_space<vmem>>, vector<16xf32>,
      %add3A_154 = arith.constant 11 : i32
      %add3A_155 = vector.broadcast %add3A_154 : i32 to vector<16xi32>
      %add3A_156 = arith.addi %mul3A_45, %add3A_155 : vector<16xi32>
      %gather3A_157 = tpu.vector_load_idx %arg5[%add3A_156] : memref<15376xf32, #tpu.memory_space<vmem>>[vector<16xi32>], vector<16xf32>,
      %mul3A_158 = arith.constant 16 : i32
      %mul3A_159 = arith.muli %scan3A_39, %mul3A_158 : i32
      %swap3A_160 = arith.constant 11 : i32
      %swap3A_161 = arith.index_cast %swap3A_160 : i32 to index
      %swap3A_162 = arith.index_cast %mul3A_159 : i32 to index
      %swap3A_163 = tpu.vector_load %arg7[%swap3A_161, %swap3A_162] {strides = array<i32>} : memref<16x2048xf32, #tpu.memory_space<vmem>>, vector<16xf32>,
      tpu.vector_store %arg7[%swap3A_161, %swap3A_162], %gather3A_157 {strides = array<i32>} : memref<16x2048xf32, #tpu.memory_space<vmem>>, vector<16xf32>,
      %add3A_164 = arith.constant 12 : i32
      %add3A_165 = vector.broadcast %add3A_164 : i32 to vector<16xi32>
      %add3A_166 = arith.addi %mul3A_45, %add3A_165 : vector<16xi32>
      %gather3A_167 = tpu.vector_load_idx %arg5[%add3A_166] : memref<15376xf32, #tpu.memory_space<vmem>>[vector<16xi32>], vector<16xf32>,
      %mul3A_168 = arith.constant 16 : i32
      %mul3A_169 = arith.muli %scan3A_39, %mul3A_168 : i32
      %swap3A_170 = arith.constant 12 : i32
      %swap3A_171 = arith.index_cast %swap3A_170 : i32 to index
      %swap3A_172 = arith.index_cast %mul3A_169 : i32 to index
      %swap3A_173 = tpu.vector_load %arg7[%swap3A_171, %swap3A_172] {strides = array<i32>} : memref<16x2048xf32, #tpu.memory_space<vmem>>, vector<16xf32>,
      tpu.vector_store %arg7[%swap3A_171, %swap3A_172], %gather3A_167 {strides = array<i32>} : memref<16x2048xf32, #tpu.memory_space<vmem>>, vector<16xf32>,
      %add3A_174 = arith.constant 13 : i32
      %add3A_175 = vector.broadcast %add3A_174 : i32 to vector<16xi32>
      %add3A_176 = arith.addi %mul3A_45, %add3A_175 : vector<16xi32>
      %gather3A_177 = tpu.vector_load_idx %arg5[%add3A_176] : memref<15376xf32, #tpu.memory_space<vmem>>[vector<16xi32>], vector<16xf32>,
      %mul3A_178 = arith.constant 16 : i32
      %mul3A_179 = arith.muli %scan3A_39, %mul3A_178 : i32
      %swap3A_180 = arith.constant 13 : i32
      %swap3A_181 = arith.index_cast %swap3A_180 : i32 to index
      %swap3A_182 = arith.index_cast %mul3A_179 : i32 to index
      %swap3A_183 = tpu.vector_load %arg7[%swap3A_181, %swap3A_182] {strides = array<i32>} : memref<16x2048xf32, #tpu.memory_space<vmem>>, vector<16xf32>,
      tpu.vector_store %arg7[%swap3A_181, %swap3A_182], %gather3A_177 {strides = array<i32>} : memref<16x2048xf32, #tpu.memory_space<vmem>>, vector<16xf32>,
      %add3A_184 = arith.constant 14 : i32
      %add3A_185 = vector.broadcast %add3A_184 : i32 to vector<16xi32>
      %add3A_186 = arith.addi %mul3A_45, %add3A_185 : vector<16xi32>
      %gather3A_187 = tpu.vector_load_idx %arg5[%add3A_186] : memref<15376xf32, #tpu.memory_space<vmem>>[vector<16xi32>], vector<16xf32>,
      %mul3A_188 = arith.constant 16 : i32
      %mul3A_189 = arith.muli %scan3A_39, %mul3A_188 : i32
      %swap3A_190 = arith.constant 14 : i32
      %swap3A_191 = arith.index_cast %swap3A_190 : i32 to index
      %swap3A_192 = arith.index_cast %mul3A_189 : i32 to index
      %swap3A_193 = tpu.vector_load %arg7[%swap3A_191, %swap3A_192] {strides = array<i32>} : memref<16x2048xf32, #tpu.memory_space<vmem>>, vector<16xf32>,
      tpu.vector_store %arg7[%swap3A_191, %swap3A_192], %gather3A_187 {strides = array<i32>} : memref<16x2048xf32, #tpu.memory_space<vmem>>, vector<16xf32>,
      %add3A_194 = arith.constant 15 : i32
      %add3A_195 = vector.broadcast %add3A_194 : i32 to vector<16xi32>
      %add3A_196 = arith.addi %mul3A_45, %add3A_195 : vector<16xi32>
      %gather3A_197 = tpu.vector_load_idx %arg5[%add3A_196] : memref<15376xf32, #tpu.memory_space<vmem>>[vector<16xi32>], vector<16xf32>,
      %mul3A_198 = arith.constant 16 : i32
      %mul3A_199 = arith.muli %scan3A_39, %mul3A_198 : i32
      %swap3A_200 = arith.constant 15 : i32
      %swap3A_201 = arith.index_cast %swap3A_200 : i32 to index
      %swap3A_202 = arith.index_cast %mul3A_199 : i32 to index
      %swap3A_203 = tpu.vector_load %arg7[%swap3A_201, %swap3A_202] {strides = array<i32>} : memref<16x2048xf32, #tpu.memory_space<vmem>>, vector<16xf32>,
      tpu.vector_store %arg7[%swap3A_201, %swap3A_202], %gather3A_197 {strides = array<i32>} : memref<16x2048xf32, #tpu.memory_space<vmem>>, vector<16xf32>,
    }
    %scan3A_7 = arith.constant 128 : i32
    %run_scoped3A = arith.constant 0 : i32
    %run_scoped3A_8 = arith.constant 0 : i32
    "tpu.region"() ({
      %run_scoped3A_39 = tpu.sem_alloc : memref<!tpu.dma_semaphore, #tpu.memory_space<semaphore_mem>>
      %dma_start3A = arith.constant 0 : i32
      %dma_start3A_40 = tpu.memref_slice %arg7[%run_scoped3A, %dma_start3A] : memref<16x2048xf32, #tpu.memory_space<vmem>> -> memref<1x2048xf32, #tpu.memory_space<vmem>>
      %dma_start3A_41 = tpu.memref_squeeze %dma_start3A_40 : memref<1x2048xf32, #tpu.memory_space<vmem>> -> memref<2048xf32, #tpu.memory_space<vmem>>
      %dma_start3A_42 = tpu.memref_slice %arg4[%run_scoped3A_8, %mul3A_2] : memref<16x65536xf32, #tpu.memory_space<hbm>> -> memref<1x2048xf32, #tpu.memory_space<hbm>>
      %dma_start3A_43 = tpu.memref_squeeze %dma_start3A_42 : memref<1x2048xf32, #tpu.memory_space<hbm>> -> memref<2048xf32, #tpu.memory_space<hbm>>
      %dma_start3A_44 = tpu.memref_slice %arg4[%run_scoped3A_8, %mul3A_2] : memref<16x65536xf32, #tpu.memory_space<hbm>> -> memref<1x2048xf32, #tpu.memory_space<hbm>>
      %dma_start3A_45 = tpu.memref_squeeze %dma_start3A_44 : memref<1x2048xf32, #tpu.memory_space<hbm>> -> memref<2048xf32, #tpu.memory_space<hbm>>
      %dma_start3A_46 = arith.constant 0 : i32
      %dma_start3A_47 = tpu.memref_slice %arg7[%run_scoped3A, %dma_start3A_46] : memref<16x2048xf32, #tpu.memory_space<vmem>> -> memref<1x2048xf32, #tpu.memory_space<vmem>>
      %dma_start3A_48 = tpu.memref_squeeze %dma_start3A_47 : memref<1x2048xf32, #tpu.memory_space<vmem>> -> memref<2048xf32, #tpu.memory_space<vmem>>
      tpu.enqueue_dma source(%dma_start3A_48 : memref<2048xf32, #tpu.memory_space<vmem>>) target(%dma_start3A_45 : memref<2048xf32, #tpu.memory_space<hbm>>) target_semaphore(%run_scoped3A_39 : memref<!tpu.dma_semaphore, #tpu.memory_space<semaphore_mem>>)
      %dma_wait3A = arith.constant 0 : i32
      %dma_wait3A_49 = tpu.memref_slice %arg7[%run_scoped3A, %dma_wait3A] : memref<16x2048xf32, #tpu.memory_space<vmem>> -> memref<1x2048xf32, #tpu.memory_space<vmem>>
      %dma_wait3A_50 = tpu.memref_squeeze %dma_wait3A_49 : memref<1x2048xf32, #tpu.memory_space<vmem>> -> memref<2048xf32, #tpu.memory_space<vmem>>
      %dma_wait3A_51 = tpu.memref_slice %arg4[%run_scoped3A_8, %mul3A_2] : memref<16x65536xf32, #tpu.memory_space<hbm>> -> memref<1x2048xf32, #tpu.memory_space<hbm>>
      %dma_wait3A_52 = tpu.memref_squeeze %dma_wait3A_51 : memref<1x2048xf32, #tpu.memory_space<hbm>> -> memref<2048xf32, #tpu.memory_space<hbm>>
      %dma_wait3A_53 = tpu.memref_slice %arg4[%run_scoped3A_8, %mul3A_2] : memref<16x65536xf32, #tpu.memory_space<hbm>> -> memref<1x2048xf32, #tpu.memory_space<hbm>>
      %dma_wait3A_54 = tpu.memref_squeeze %dma_wait3A_53 : memref<1x2048xf32, #tpu.memory_space<hbm>> -> memref<2048xf32, #tpu.memory_space<hbm>>
      %dma_wait3A_55 = arith.constant 0 : i32
      %dma_wait3A_56 = tpu.memref_slice %arg7[%run_scoped3A, %dma_wait3A_55] : memref<16x2048xf32, #tpu.memory_space<vmem>> -> memref<1x2048xf32, #tpu.memory_space<vmem>>
      %dma_wait3A_57 = tpu.memref_squeeze %dma_wait3A_56 : memref<1x2048xf32, #tpu.memory_space<vmem>> -> memref<2048xf32, #tpu.memory_space<vmem>>
      tpu.wait_dma2 semaphore(%run_scoped3A_39 : memref<!tpu.dma_semaphore, #tpu.memory_space<semaphore_mem>>) src(%dma_wait3A_57 : memref<2048xf32, #tpu.memory_space<vmem>>) dst(%dma_wait3A_54 : memref<2048xf32, #tpu.memory_space<hbm>>)
      tpu.yield
    }) : () -> ()
    %run_scoped3A_9 = arith.constant 1 : i32
    %run_scoped3A_10 = arith.constant 1 : i32
    "tpu.region"() ({
      %run_scoped3A_39 = tpu.sem_alloc : memref<!tpu.dma_semaphore, #tpu.memory_space<semaphore_mem>>
      %dma_start3A = arith.constant 0 : i32
      %dma_start3A_40 = tpu.memref_slice %arg7[%run_scoped3A_9, %dma_start3A] : memref<16x2048xf32, #tpu.memory_space<vmem>> -> memref<1x2048xf32, #tpu.memory_space<vmem>>
      %dma_start3A_41 = tpu.memref_squeeze %dma_start3A_40 : memref<1x2048xf32, #tpu.memory_space<vmem>> -> memref<2048xf32, #tpu.memory_space<vmem>>
      %dma_start3A_42 = tpu.memref_slice %arg4[%run_scoped3A_10, %mul3A_2] : memref<16x65536xf32, #tpu.memory_space<hbm>> -> memref<1x2048xf32, #tpu.memory_space<hbm>>
      %dma_start3A_43 = tpu.memref_squeeze %dma_start3A_42 : memref<1x2048xf32, #tpu.memory_space<hbm>> -> memref<2048xf32, #tpu.memory_space<hbm>>
      %dma_start3A_44 = tpu.memref_slice %arg4[%run_scoped3A_10, %mul3A_2] : memref<16x65536xf32, #tpu.memory_space<hbm>> -> memref<1x2048xf32, #tpu.memory_space<hbm>>
      %dma_start3A_45 = tpu.memref_squeeze %dma_start3A_44 : memref<1x2048xf32, #tpu.memory_space<hbm>> -> memref<2048xf32, #tpu.memory_space<hbm>>
      %dma_start3A_46 = arith.constant 0 : i32
      %dma_start3A_47 = tpu.memref_slice %arg7[%run_scoped3A_9, %dma_start3A_46] : memref<16x2048xf32, #tpu.memory_space<vmem>> -> memref<1x2048xf32, #tpu.memory_space<vmem>>
      %dma_start3A_48 = tpu.memref_squeeze %dma_start3A_47 : memref<1x2048xf32, #tpu.memory_space<vmem>> -> memref<2048xf32, #tpu.memory_space<vmem>>
      tpu.enqueue_dma source(%dma_start3A_48 : memref<2048xf32, #tpu.memory_space<vmem>>) target(%dma_start3A_45 : memref<2048xf32, #tpu.memory_space<hbm>>) target_semaphore(%run_scoped3A_39 : memref<!tpu.dma_semaphore, #tpu.memory_space<semaphore_mem>>)
      %dma_wait3A = arith.constant 0 : i32
      %dma_wait3A_49 = tpu.memref_slice %arg7[%run_scoped3A_9, %dma_wait3A] : memref<16x2048xf32, #tpu.memory_space<vmem>> -> memref<1x2048xf32, #tpu.memory_space<vmem>>
      %dma_wait3A_50 = tpu.memref_squeeze %dma_wait3A_49 : memref<1x2048xf32, #tpu.memory_space<vmem>> -> memref<2048xf32, #tpu.memory_space<vmem>>
      %dma_wait3A_51 = tpu.memref_slice %arg4[%run_scoped3A_10, %mul3A_2] : memref<16x65536xf32, #tpu.memory_space<hbm>> -> memref<1x2048xf32, #tpu.memory_space<hbm>>
      %dma_wait3A_52 = tpu.memref_squeeze %dma_wait3A_51 : memref<1x2048xf32, #tpu.memory_space<hbm>> -> memref<2048xf32, #tpu.memory_space<hbm>>
      %dma_wait3A_53 = tpu.memref_slice %arg4[%run_scoped3A_10, %mul3A_2] : memref<16x65536xf32, #tpu.memory_space<hbm>> -> memref<1x2048xf32, #tpu.memory_space<hbm>>
      %dma_wait3A_54 = tpu.memref_squeeze %dma_wait3A_53 : memref<1x2048xf32, #tpu.memory_space<hbm>> -> memref<2048xf32, #tpu.memory_space<hbm>>
      %dma_wait3A_55 = arith.constant 0 : i32
      %dma_wait3A_56 = tpu.memref_slice %arg7[%run_scoped3A_9, %dma_wait3A_55] : memref<16x2048xf32, #tpu.memory_space<vmem>> -> memref<1x2048xf32, #tpu.memory_space<vmem>>
      %dma_wait3A_57 = tpu.memref_squeeze %dma_wait3A_56 : memref<1x2048xf32, #tpu.memory_space<vmem>> -> memref<2048xf32, #tpu.memory_space<vmem>>
      tpu.wait_dma2 semaphore(%run_scoped3A_39 : memref<!tpu.dma_semaphore, #tpu.memory_space<semaphore_mem>>) src(%dma_wait3A_57 : memref<2048xf32, #tpu.memory_space<vmem>>) dst(%dma_wait3A_54 : memref<2048xf32, #tpu.memory_space<hbm>>)
      tpu.yield
    }) : () -> ()
    %run_scoped3A_11 = arith.constant 2 : i32
    %run_scoped3A_12 = arith.constant 2 : i32
    "tpu.region"() ({
      %run_scoped3A_39 = tpu.sem_alloc : memref<!tpu.dma_semaphore, #tpu.memory_space<semaphore_mem>>
      %dma_start3A = arith.constant 0 : i32
      %dma_start3A_40 = tpu.memref_slice %arg7[%run_scoped3A_11, %dma_start3A] : memref<16x2048xf32, #tpu.memory_space<vmem>> -> memref<1x2048xf32, #tpu.memory_space<vmem>>
      %dma_start3A_41 = tpu.memref_squeeze %dma_start3A_40 : memref<1x2048xf32, #tpu.memory_space<vmem>> -> memref<2048xf32, #tpu.memory_space<vmem>>
      %dma_start3A_42 = tpu.memref_slice %arg4[%run_scoped3A_12, %mul3A_2] : memref<16x65536xf32, #tpu.memory_space<hbm>> -> memref<1x2048xf32, #tpu.memory_space<hbm>>
      %dma_start3A_43 = tpu.memref_squeeze %dma_start3A_42 : memref<1x2048xf32, #tpu.memory_space<hbm>> -> memref<2048xf32, #tpu.memory_space<hbm>>
      %dma_start3A_44 = tpu.memref_slice %arg4[%run_scoped3A_12, %mul3A_2] : memref<16x65536xf32, #tpu.memory_space<hbm>> -> memref<1x2048xf32, #tpu.memory_space<hbm>>
      %dma_start3A_45 = tpu.memref_squeeze %dma_start3A_44 : memref<1x2048xf32, #tpu.memory_space<hbm>> -> memref<2048xf32, #tpu.memory_space<hbm>>
      %dma_start3A_46 = arith.constant 0 : i32
      %dma_start3A_47 = tpu.memref_slice %arg7[%run_scoped3A_11, %dma_start3A_46] : memref<16x2048xf32, #tpu.memory_space<vmem>> -> memref<1x2048xf32, #tpu.memory_space<vmem>>
      %dma_start3A_48 = tpu.memref_squeeze %dma_start3A_47 : memref<1x2048xf32, #tpu.memory_space<vmem>> -> memref<2048xf32, #tpu.memory_space<vmem>>
      tpu.enqueue_dma source(%dma_start3A_48 : memref<2048xf32, #tpu.memory_space<vmem>>) target(%dma_start3A_45 : memref<2048xf32, #tpu.memory_space<hbm>>) target_semaphore(%run_scoped3A_39 : memref<!tpu.dma_semaphore, #tpu.memory_space<semaphore_mem>>)
      %dma_wait3A = arith.constant 0 : i32
      %dma_wait3A_49 = tpu.memref_slice %arg7[%run_scoped3A_11, %dma_wait3A] : memref<16x2048xf32, #tpu.memory_space<vmem>> -> memref<1x2048xf32, #tpu.memory_space<vmem>>
      %dma_wait3A_50 = tpu.memref_squeeze %dma_wait3A_49 : memref<1x2048xf32, #tpu.memory_space<vmem>> -> memref<2048xf32, #tpu.memory_space<vmem>>
      %dma_wait3A_51 = tpu.memref_slice %arg4[%run_scoped3A_12, %mul3A_2] : memref<16x65536xf32, #tpu.memory_space<hbm>> -> memref<1x2048xf32, #tpu.memory_space<hbm>>
      %dma_wait3A_52 = tpu.memref_squeeze %dma_wait3A_51 : memref<1x2048xf32, #tpu.memory_space<hbm>> -> memref<2048xf32, #tpu.memory_space<hbm>>
      %dma_wait3A_53 = tpu.memref_slice %arg4[%run_scoped3A_12, %mul3A_2] : memref<16x65536xf32, #tpu.memory_space<hbm>> -> memref<1x2048xf32, #tpu.memory_space<hbm>>
      %dma_wait3A_54 = tpu.memref_squeeze %dma_wait3A_53 : memref<1x2048xf32, #tpu.memory_space<hbm>> -> memref<2048xf32, #tpu.memory_space<hbm>>
      %dma_wait3A_55 = arith.constant 0 : i32
      %dma_wait3A_56 = tpu.memref_slice %arg7[%run_scoped3A_11, %dma_wait3A_55] : memref<16x2048xf32, #tpu.memory_space<vmem>> -> memref<1x2048xf32, #tpu.memory_space<vmem>>
      %dma_wait3A_57 = tpu.memref_squeeze %dma_wait3A_56 : memref<1x2048xf32, #tpu.memory_space<vmem>> -> memref<2048xf32, #tpu.memory_space<vmem>>
      tpu.wait_dma2 semaphore(%run_scoped3A_39 : memref<!tpu.dma_semaphore, #tpu.memory_space<semaphore_mem>>) src(%dma_wait3A_57 : memref<2048xf32, #tpu.memory_space<vmem>>) dst(%dma_wait3A_54 : memref<2048xf32, #tpu.memory_space<hbm>>)
      tpu.yield
    }) : () -> ()
    %run_scoped3A_13 = arith.constant 3 : i32
    %run_scoped3A_14 = arith.constant 3 : i32
    "tpu.region"() ({
      %run_scoped3A_39 = tpu.sem_alloc : memref<!tpu.dma_semaphore, #tpu.memory_space<semaphore_mem>>
      %dma_start3A = arith.constant 0 : i32
      %dma_start3A_40 = tpu.memref_slice %arg7[%run_scoped3A_13, %dma_start3A] : memref<16x2048xf32, #tpu.memory_space<vmem>> -> memref<1x2048xf32, #tpu.memory_space<vmem>>
      %dma_start3A_41 = tpu.memref_squeeze %dma_start3A_40 : memref<1x2048xf32, #tpu.memory_space<vmem>> -> memref<2048xf32, #tpu.memory_space<vmem>>
      %dma_start3A_42 = tpu.memref_slice %arg4[%run_scoped3A_14, %mul3A_2] : memref<16x65536xf32, #tpu.memory_space<hbm>> -> memref<1x2048xf32, #tpu.memory_space<hbm>>
      %dma_start3A_43 = tpu.memref_squeeze %dma_start3A_42 : memref<1x2048xf32, #tpu.memory_space<hbm>> -> memref<2048xf32, #tpu.memory_space<hbm>>
      %dma_start3A_44 = tpu.memref_slice %arg4[%run_scoped3A_14, %mul3A_2] : memref<16x65536xf32, #tpu.memory_space<hbm>> -> memref<1x2048xf32, #tpu.memory_space<hbm>>
      %dma_start3A_45 = tpu.memref_squeeze %dma_start3A_44 : memref<1x2048xf32, #tpu.memory_space<hbm>> -> memref<2048xf32, #tpu.memory_space<hbm>>
      %dma_start3A_46 = arith.constant 0 : i32
      %dma_start3A_47 = tpu.memref_slice %arg7[%run_scoped3A_13, %dma_start3A_46] : memref<16x2048xf32, #tpu.memory_space<vmem>> -> memref<1x2048xf32, #tpu.memory_space<vmem>>
      %dma_start3A_48 = tpu.memref_squeeze %dma_start3A_47 : memref<1x2048xf32, #tpu.memory_space<vmem>> -> memref<2048xf32, #tpu.memory_space<vmem>>
      tpu.enqueue_dma source(%dma_start3A_48 : memref<2048xf32, #tpu.memory_space<vmem>>) target(%dma_start3A_45 : memref<2048xf32, #tpu.memory_space<hbm>>) target_semaphore(%run_scoped3A_39 : memref<!tpu.dma_semaphore, #tpu.memory_space<semaphore_mem>>)
      %dma_wait3A = arith.constant 0 : i32
      %dma_wait3A_49 = tpu.memref_slice %arg7[%run_scoped3A_13, %dma_wait3A] : memref<16x2048xf32, #tpu.memory_space<vmem>> -> memref<1x2048xf32, #tpu.memory_space<vmem>>
      %dma_wait3A_50 = tpu.memref_squeeze %dma_wait3A_49 : memref<1x2048xf32, #tpu.memory_space<vmem>> -> memref<2048xf32, #tpu.memory_space<vmem>>
      %dma_wait3A_51 = tpu.memref_slice %arg4[%run_scoped3A_14, %mul3A_2] : memref<16x65536xf32, #tpu.memory_space<hbm>> -> memref<1x2048xf32, #tpu.memory_space<hbm>>
      %dma_wait3A_52 = tpu.memref_squeeze %dma_wait3A_51 : memref<1x2048xf32, #tpu.memory_space<hbm>> -> memref<2048xf32, #tpu.memory_space<hbm>>
      %dma_wait3A_53 = tpu.memref_slice %arg4[%run_scoped3A_14, %mul3A_2] : memref<16x65536xf32, #tpu.memory_space<hbm>> -> memref<1x2048xf32, #tpu.memory_space<hbm>>
      %dma_wait3A_54 = tpu.memref_squeeze %dma_wait3A_53 : memref<1x2048xf32, #tpu.memory_space<hbm>> -> memref<2048xf32, #tpu.memory_space<hbm>>
      %dma_wait3A_55 = arith.constant 0 : i32
      %dma_wait3A_56 = tpu.memref_slice %arg7[%run_scoped3A_13, %dma_wait3A_55] : memref<16x2048xf32, #tpu.memory_space<vmem>> -> memref<1x2048xf32, #tpu.memory_space<vmem>>
      %dma_wait3A_57 = tpu.memref_squeeze %dma_wait3A_56 : memref<1x2048xf32, #tpu.memory_space<vmem>> -> memref<2048xf32, #tpu.memory_space<vmem>>
      tpu.wait_dma2 semaphore(%run_scoped3A_39 : memref<!tpu.dma_semaphore, #tpu.memory_space<semaphore_mem>>) src(%dma_wait3A_57 : memref<2048xf32, #tpu.memory_space<vmem>>) dst(%dma_wait3A_54 : memref<2048xf32, #tpu.memory_space<hbm>>)
      tpu.yield
    }) : () -> ()
    %run_scoped3A_15 = arith.constant 4 : i32
    %run_scoped3A_16 = arith.constant 4 : i32
    "tpu.region"() ({
      %run_scoped3A_39 = tpu.sem_alloc : memref<!tpu.dma_semaphore, #tpu.memory_space<semaphore_mem>>
      %dma_start3A = arith.constant 0 : i32
      %dma_start3A_40 = tpu.memref_slice %arg7[%run_scoped3A_15, %dma_start3A] : memref<16x2048xf32, #tpu.memory_space<vmem>> -> memref<1x2048xf32, #tpu.memory_space<vmem>>
      %dma_start3A_41 = tpu.memref_squeeze %dma_start3A_40 : memref<1x2048xf32, #tpu.memory_space<vmem>> -> memref<2048xf32, #tpu.memory_space<vmem>>
      %dma_start3A_42 = tpu.memref_slice %arg4[%run_scoped3A_16, %mul3A_2] : memref<16x65536xf32, #tpu.memory_space<hbm>> -> memref<1x2048xf32, #tpu.memory_space<hbm>>
      %dma_start3A_43 = tpu.memref_squeeze %dma_start3A_42 : memref<1x2048xf32, #tpu.memory_space<hbm>> -> memref<2048xf32, #tpu.memory_space<hbm>>
      %dma_start3A_44 = tpu.memref_slice %arg4[%run_scoped3A_16, %mul3A_2] : memref<16x65536xf32, #tpu.memory_space<hbm>> -> memref<1x2048xf32, #tpu.memory_space<hbm>>
      %dma_start3A_45 = tpu.memref_squeeze %dma_start3A_44 : memref<1x2048xf32, #tpu.memory_space<hbm>> -> memref<2048xf32, #tpu.memory_space<hbm>>
      %dma_start3A_46 = arith.constant 0 : i32
      %dma_start3A_47 = tpu.memref_slice %arg7[%run_scoped3A_15, %dma_start3A_46] : memref<16x2048xf32, #tpu.memory_space<vmem>> -> memref<1x2048xf32, #tpu.memory_space<vmem>>
      %dma_start3A_48 = tpu.memref_squeeze %dma_start3A_47 : memref<1x2048xf32, #tpu.memory_space<vmem>> -> memref<2048xf32, #tpu.memory_space<vmem>>
      tpu.enqueue_dma source(%dma_start3A_48 : memref<2048xf32, #tpu.memory_space<vmem>>) target(%dma_start3A_45 : memref<2048xf32, #tpu.memory_space<hbm>>) target_semaphore(%run_scoped3A_39 : memref<!tpu.dma_semaphore, #tpu.memory_space<semaphore_mem>>)
      %dma_wait3A = arith.constant 0 : i32
      %dma_wait3A_49 = tpu.memref_slice %arg7[%run_scoped3A_15, %dma_wait3A] : memref<16x2048xf32, #tpu.memory_space<vmem>> -> memref<1x2048xf32, #tpu.memory_space<vmem>>
      %dma_wait3A_50 = tpu.memref_squeeze %dma_wait3A_49 : memref<1x2048xf32, #tpu.memory_space<vmem>> -> memref<2048xf32, #tpu.memory_space<vmem>>
      %dma_wait3A_51 = tpu.memref_slice %arg4[%run_scoped3A_16, %mul3A_2] : memref<16x65536xf32, #tpu.memory_space<hbm>> -> memref<1x2048xf32, #tpu.memory_space<hbm>>
      %dma_wait3A_52 = tpu.memref_squeeze %dma_wait3A_51 : memref<1x2048xf32, #tpu.memory_space<hbm>> -> memref<2048xf32, #tpu.memory_space<hbm>>
      %dma_wait3A_53 = tpu.memref_slice %arg4[%run_scoped3A_16, %mul3A_2] : memref<16x65536xf32, #tpu.memory_space<hbm>> -> memref<1x2048xf32, #tpu.memory_space<hbm>>
      %dma_wait3A_54 = tpu.memref_squeeze %dma_wait3A_53 : memref<1x2048xf32, #tpu.memory_space<hbm>> -> memref<2048xf32, #tpu.memory_space<hbm>>
      %dma_wait3A_55 = arith.constant 0 : i32
      %dma_wait3A_56 = tpu.memref_slice %arg7[%run_scoped3A_15, %dma_wait3A_55] : memref<16x2048xf32, #tpu.memory_space<vmem>> -> memref<1x2048xf32, #tpu.memory_space<vmem>>
      %dma_wait3A_57 = tpu.memref_squeeze %dma_wait3A_56 : memref<1x2048xf32, #tpu.memory_space<vmem>> -> memref<2048xf32, #tpu.memory_space<vmem>>
      tpu.wait_dma2 semaphore(%run_scoped3A_39 : memref<!tpu.dma_semaphore, #tpu.memory_space<semaphore_mem>>) src(%dma_wait3A_57 : memref<2048xf32, #tpu.memory_space<vmem>>) dst(%dma_wait3A_54 : memref<2048xf32, #tpu.memory_space<hbm>>)
      tpu.yield
    }) : () -> ()
    %run_scoped3A_17 = arith.constant 5 : i32
    %run_scoped3A_18 = arith.constant 5 : i32
    "tpu.region"() ({
      %run_scoped3A_39 = tpu.sem_alloc : memref<!tpu.dma_semaphore, #tpu.memory_space<semaphore_mem>>
      %dma_start3A = arith.constant 0 : i32
      %dma_start3A_40 = tpu.memref_slice %arg7[%run_scoped3A_17, %dma_start3A] : memref<16x2048xf32, #tpu.memory_space<vmem>> -> memref<1x2048xf32, #tpu.memory_space<vmem>>
      %dma_start3A_41 = tpu.memref_squeeze %dma_start3A_40 : memref<1x2048xf32, #tpu.memory_space<vmem>> -> memref<2048xf32, #tpu.memory_space<vmem>>
      %dma_start3A_42 = tpu.memref_slice %arg4[%run_scoped3A_18, %mul3A_2] : memref<16x65536xf32, #tpu.memory_space<hbm>> -> memref<1x2048xf32, #tpu.memory_space<hbm>>
      %dma_start3A_43 = tpu.memref_squeeze %dma_start3A_42 : memref<1x2048xf32, #tpu.memory_space<hbm>> -> memref<2048xf32, #tpu.memory_space<hbm>>
      %dma_start3A_44 = tpu.memref_slice %arg4[%run_scoped3A_18, %mul3A_2] : memref<16x65536xf32, #tpu.memory_space<hbm>> -> memref<1x2048xf32, #tpu.memory_space<hbm>>
      %dma_start3A_45 = tpu.memref_squeeze %dma_start3A_44 : memref<1x2048xf32, #tpu.memory_space<hbm>> -> memref<2048xf32, #tpu.memory_space<hbm>>
      %dma_start3A_46 = arith.constant 0 : i32
      %dma_start3A_47 = tpu.memref_slice %arg7[%run_scoped3A_17, %dma_start3A_46] : memref<16x2048xf32, #tpu.memory_space<vmem>> -> memref<1x2048xf32, #tpu.memory_space<vmem>>
      %dma_start3A_48 = tpu.memref_squeeze %dma_start3A_47 : memref<1x2048xf32, #tpu.memory_space<vmem>> -> memref<2048xf32, #tpu.memory_space<vmem>>
      tpu.enqueue_dma source(%dma_start3A_48 : memref<2048xf32, #tpu.memory_space<vmem>>) target(%dma_start3A_45 : memref<2048xf32, #tpu.memory_space<hbm>>) target_semaphore(%run_scoped3A_39 : memref<!tpu.dma_semaphore, #tpu.memory_space<semaphore_mem>>)
      %dma_wait3A = arith.constant 0 : i32
      %dma_wait3A_49 = tpu.memref_slice %arg7[%run_scoped3A_17, %dma_wait3A] : memref<16x2048xf32, #tpu.memory_space<vmem>> -> memref<1x2048xf32, #tpu.memory_space<vmem>>
      %dma_wait3A_50 = tpu.memref_squeeze %dma_wait3A_49 : memref<1x2048xf32, #tpu.memory_space<vmem>> -> memref<2048xf32, #tpu.memory_space<vmem>>
      %dma_wait3A_51 = tpu.memref_slice %arg4[%run_scoped3A_18, %mul3A_2] : memref<16x65536xf32, #tpu.memory_space<hbm>> -> memref<1x2048xf32, #tpu.memory_space<hbm>>
      %dma_wait3A_52 = tpu.memref_squeeze %dma_wait3A_51 : memref<1x2048xf32, #tpu.memory_space<hbm>> -> memref<2048xf32, #tpu.memory_space<hbm>>
      %dma_wait3A_53 = tpu.memref_slice %arg4[%run_scoped3A_18, %mul3A_2] : memref<16x65536xf32, #tpu.memory_space<hbm>> -> memref<1x2048xf32, #tpu.memory_space<hbm>>
      %dma_wait3A_54 = tpu.memref_squeeze %dma_wait3A_53 : memref<1x2048xf32, #tpu.memory_space<hbm>> -> memref<2048xf32, #tpu.memory_space<hbm>>
      %dma_wait3A_55 = arith.constant 0 : i32
      %dma_wait3A_56 = tpu.memref_slice %arg7[%run_scoped3A_17, %dma_wait3A_55] : memref<16x2048xf32, #tpu.memory_space<vmem>> -> memref<1x2048xf32, #tpu.memory_space<vmem>>
      %dma_wait3A_57 = tpu.memref_squeeze %dma_wait3A_56 : memref<1x2048xf32, #tpu.memory_space<vmem>> -> memref<2048xf32, #tpu.memory_space<vmem>>
      tpu.wait_dma2 semaphore(%run_scoped3A_39 : memref<!tpu.dma_semaphore, #tpu.memory_space<semaphore_mem>>) src(%dma_wait3A_57 : memref<2048xf32, #tpu.memory_space<vmem>>) dst(%dma_wait3A_54 : memref<2048xf32, #tpu.memory_space<hbm>>)
      tpu.yield
    }) : () -> ()
    %run_scoped3A_19 = arith.constant 6 : i32
    %run_scoped3A_20 = arith.constant 6 : i32
    "tpu.region"() ({
      %run_scoped3A_39 = tpu.sem_alloc : memref<!tpu.dma_semaphore, #tpu.memory_space<semaphore_mem>>
      %dma_start3A = arith.constant 0 : i32
      %dma_start3A_40 = tpu.memref_slice %arg7[%run_scoped3A_19, %dma_start3A] : memref<16x2048xf32, #tpu.memory_space<vmem>> -> memref<1x2048xf32, #tpu.memory_space<vmem>>
      %dma_start3A_41 = tpu.memref_squeeze %dma_start3A_40 : memref<1x2048xf32, #tpu.memory_space<vmem>> -> memref<2048xf32, #tpu.memory_space<vmem>>
      %dma_start3A_42 = tpu.memref_slice %arg4[%run_scoped3A_20, %mul3A_2] : memref<16x65536xf32, #tpu.memory_space<hbm>> -> memref<1x2048xf32, #tpu.memory_space<hbm>>
      %dma_start3A_43 = tpu.memref_squeeze %dma_start3A_42 : memref<1x2048xf32, #tpu.memory_space<hbm>> -> memref<2048xf32, #tpu.memory_space<hbm>>
      %dma_start3A_44 = tpu.memref_slice %arg4[%run_scoped3A_20, %mul3A_2] : memref<16x65536xf32, #tpu.memory_space<hbm>> -> memref<1x2048xf32, #tpu.memory_space<hbm>>
      %dma_start3A_45 = tpu.memref_squeeze %dma_start3A_44 : memref<1x2048xf32, #tpu.memory_space<hbm>> -> memref<2048xf32, #tpu.memory_space<hbm>>
      %dma_start3A_46 = arith.constant 0 : i32
      %dma_start3A_47 = tpu.memref_slice %arg7[%run_scoped3A_19, %dma_start3A_46] : memref<16x2048xf32, #tpu.memory_space<vmem>> -> memref<1x2048xf32, #tpu.memory_space<vmem>>
      %dma_start3A_48 = tpu.memref_squeeze %dma_start3A_47 : memref<1x2048xf32, #tpu.memory_space<vmem>> -> memref<2048xf32, #tpu.memory_space<vmem>>
      tpu.enqueue_dma source(%dma_start3A_48 : memref<2048xf32, #tpu.memory_space<vmem>>) target(%dma_start3A_45 : memref<2048xf32, #tpu.memory_space<hbm>>) target_semaphore(%run_scoped3A_39 : memref<!tpu.dma_semaphore, #tpu.memory_space<semaphore_mem>>)
      %dma_wait3A = arith.constant 0 : i32
      %dma_wait3A_49 = tpu.memref_slice %arg7[%run_scoped3A_19, %dma_wait3A] : memref<16x2048xf32, #tpu.memory_space<vmem>> -> memref<1x2048xf32, #tpu.memory_space<vmem>>
      %dma_wait3A_50 = tpu.memref_squeeze %dma_wait3A_49 : memref<1x2048xf32, #tpu.memory_space<vmem>> -> memref<2048xf32, #tpu.memory_space<vmem>>
      %dma_wait3A_51 = tpu.memref_slice %arg4[%run_scoped3A_20, %mul3A_2] : memref<16x65536xf32, #tpu.memory_space<hbm>> -> memref<1x2048xf32, #tpu.memory_space<hbm>>
      %dma_wait3A_52 = tpu.memref_squeeze %dma_wait3A_51 : memref<1x2048xf32, #tpu.memory_space<hbm>> -> memref<2048xf32, #tpu.memory_space<hbm>>
      %dma_wait3A_53 = tpu.memref_slice %arg4[%run_scoped3A_20, %mul3A_2] : memref<16x65536xf32, #tpu.memory_space<hbm>> -> memref<1x2048xf32, #tpu.memory_space<hbm>>
      %dma_wait3A_54 = tpu.memref_squeeze %dma_wait3A_53 : memref<1x2048xf32, #tpu.memory_space<hbm>> -> memref<2048xf32, #tpu.memory_space<hbm>>
      %dma_wait3A_55 = arith.constant 0 : i32
      %dma_wait3A_56 = tpu.memref_slice %arg7[%run_scoped3A_19, %dma_wait3A_55] : memref<16x2048xf32, #tpu.memory_space<vmem>> -> memref<1x2048xf32, #tpu.memory_space<vmem>>
      %dma_wait3A_57 = tpu.memref_squeeze %dma_wait3A_56 : memref<1x2048xf32, #tpu.memory_space<vmem>> -> memref<2048xf32, #tpu.memory_space<vmem>>
      tpu.wait_dma2 semaphore(%run_scoped3A_39 : memref<!tpu.dma_semaphore, #tpu.memory_space<semaphore_mem>>) src(%dma_wait3A_57 : memref<2048xf32, #tpu.memory_space<vmem>>) dst(%dma_wait3A_54 : memref<2048xf32, #tpu.memory_space<hbm>>)
      tpu.yield
    }) : () -> ()
    %run_scoped3A_21 = arith.constant 7 : i32
    %run_scoped3A_22 = arith.constant 7 : i32
    "tpu.region"() ({
      %run_scoped3A_39 = tpu.sem_alloc : memref<!tpu.dma_semaphore, #tpu.memory_space<semaphore_mem>>
      %dma_start3A = arith.constant 0 : i32
      %dma_start3A_40 = tpu.memref_slice %arg7[%run_scoped3A_21, %dma_start3A] : memref<16x2048xf32, #tpu.memory_space<vmem>> -> memref<1x2048xf32, #tpu.memory_space<vmem>>
      %dma_start3A_41 = tpu.memref_squeeze %dma_start3A_40 : memref<1x2048xf32, #tpu.memory_space<vmem>> -> memref<2048xf32, #tpu.memory_space<vmem>>
      %dma_start3A_42 = tpu.memref_slice %arg4[%run_scoped3A_22, %mul3A_2] : memref<16x65536xf32, #tpu.memory_space<hbm>> -> memref<1x2048xf32, #tpu.memory_space<hbm>>
      %dma_start3A_43 = tpu.memref_squeeze %dma_start3A_42 : memref<1x2048xf32, #tpu.memory_space<hbm>> -> memref<2048xf32, #tpu.memory_space<hbm>>
      %dma_start3A_44 = tpu.memref_slice %arg4[%run_scoped3A_22, %mul3A_2] : memref<16x65536xf32, #tpu.memory_space<hbm>> -> memref<1x2048xf32, #tpu.memory_space<hbm>>
      %dma_start3A_45 = tpu.memref_squeeze %dma_start3A_44 : memref<1x2048xf32, #tpu.memory_space<hbm>> -> memref<2048xf32, #tpu.memory_space<hbm>>
      %dma_start3A_46 = arith.constant 0 : i32
      %dma_start3A_47 = tpu.memref_slice %arg7[%run_scoped3A_21, %dma_start3A_46] : memref<16x2048xf32, #tpu.memory_space<vmem>> -> memref<1x2048xf32, #tpu.memory_space<vmem>>
      %dma_start3A_48 = tpu.memref_squeeze %dma_start3A_47 : memref<1x2048xf32, #tpu.memory_space<vmem>> -> memref<2048xf32, #tpu.memory_space<vmem>>
      tpu.enqueue_dma source(%dma_start3A_48 : memref<2048xf32, #tpu.memory_space<vmem>>) target(%dma_start3A_45 : memref<2048xf32, #tpu.memory_space<hbm>>) target_semaphore(%run_scoped3A_39 : memref<!tpu.dma_semaphore, #tpu.memory_space<semaphore_mem>>)
      %dma_wait3A = arith.constant 0 : i32
      %dma_wait3A_49 = tpu.memref_slice %arg7[%run_scoped3A_21, %dma_wait3A] : memref<16x2048xf32, #tpu.memory_space<vmem>> -> memref<1x2048xf32, #tpu.memory_space<vmem>>
      %dma_wait3A_50 = tpu.memref_squeeze %dma_wait3A_49 : memref<1x2048xf32, #tpu.memory_space<vmem>> -> memref<2048xf32, #tpu.memory_space<vmem>>
      %dma_wait3A_51 = tpu.memref_slice %arg4[%run_scoped3A_22, %mul3A_2] : memref<16x65536xf32, #tpu.memory_space<hbm>> -> memref<1x2048xf32, #tpu.memory_space<hbm>>
      %dma_wait3A_52 = tpu.memref_squeeze %dma_wait3A_51 : memref<1x2048xf32, #tpu.memory_space<hbm>> -> memref<2048xf32, #tpu.memory_space<hbm>>
      %dma_wait3A_53 = tpu.memref_slice %arg4[%run_scoped3A_22, %mul3A_2] : memref<16x65536xf32, #tpu.memory_space<hbm>> -> memref<1x2048xf32, #tpu.memory_space<hbm>>
      %dma_wait3A_54 = tpu.memref_squeeze %dma_wait3A_53 : memref<1x2048xf32, #tpu.memory_space<hbm>> -> memref<2048xf32, #tpu.memory_space<hbm>>
      %dma_wait3A_55 = arith.constant 0 : i32
      %dma_wait3A_56 = tpu.memref_slice %arg7[%run_scoped3A_21, %dma_wait3A_55] : memref<16x2048xf32, #tpu.memory_space<vmem>> -> memref<1x2048xf32, #tpu.memory_space<vmem>>
      %dma_wait3A_57 = tpu.memref_squeeze %dma_wait3A_56 : memref<1x2048xf32, #tpu.memory_space<vmem>> -> memref<2048xf32, #tpu.memory_space<vmem>>
      tpu.wait_dma2 semaphore(%run_scoped3A_39 : memref<!tpu.dma_semaphore, #tpu.memory_space<semaphore_mem>>) src(%dma_wait3A_57 : memref<2048xf32, #tpu.memory_space<vmem>>) dst(%dma_wait3A_54 : memref<2048xf32, #tpu.memory_space<hbm>>)
      tpu.yield
    }) : () -> ()
    %run_scoped3A_23 = arith.constant 8 : i32
    %run_scoped3A_24 = arith.constant 8 : i32
    "tpu.region"() ({
      %run_scoped3A_39 = tpu.sem_alloc : memref<!tpu.dma_semaphore, #tpu.memory_space<semaphore_mem>>
      %dma_start3A = arith.constant 0 : i32
      %dma_start3A_40 = tpu.memref_slice %arg7[%run_scoped3A_23, %dma_start3A] : memref<16x2048xf32, #tpu.memory_space<vmem>> -> memref<1x2048xf32, #tpu.memory_space<vmem>>
      %dma_start3A_41 = tpu.memref_squeeze %dma_start3A_40 : memref<1x2048xf32, #tpu.memory_space<vmem>> -> memref<2048xf32, #tpu.memory_space<vmem>>
      %dma_start3A_42 = tpu.memref_slice %arg4[%run_scoped3A_24, %mul3A_2] : memref<16x65536xf32, #tpu.memory_space<hbm>> -> memref<1x2048xf32, #tpu.memory_space<hbm>>
      %dma_start3A_43 = tpu.memref_squeeze %dma_start3A_42 : memref<1x2048xf32, #tpu.memory_space<hbm>> -> memref<2048xf32, #tpu.memory_space<hbm>>
      %dma_start3A_44 = tpu.memref_slice %arg4[%run_scoped3A_24, %mul3A_2] : memref<16x65536xf32, #tpu.memory_space<hbm>> -> memref<1x2048xf32, #tpu.memory_space<hbm>>
      %dma_start3A_45 = tpu.memref_squeeze %dma_start3A_44 : memref<1x2048xf32, #tpu.memory_space<hbm>> -> memref<2048xf32, #tpu.memory_space<hbm>>
      %dma_start3A_46 = arith.constant 0 : i32
      %dma_start3A_47 = tpu.memref_slice %arg7[%run_scoped3A_23, %dma_start3A_46] : memref<16x2048xf32, #tpu.memory_space<vmem>> -> memref<1x2048xf32, #tpu.memory_space<vmem>>
      %dma_start3A_48 = tpu.memref_squeeze %dma_start3A_47 : memref<1x2048xf32, #tpu.memory_space<vmem>> -> memref<2048xf32, #tpu.memory_space<vmem>>
      tpu.enqueue_dma source(%dma_start3A_48 : memref<2048xf32, #tpu.memory_space<vmem>>) target(%dma_start3A_45 : memref<2048xf32, #tpu.memory_space<hbm>>) target_semaphore(%run_scoped3A_39 : memref<!tpu.dma_semaphore, #tpu.memory_space<semaphore_mem>>)
      %dma_wait3A = arith.constant 0 : i32
      %dma_wait3A_49 = tpu.memref_slice %arg7[%run_scoped3A_23, %dma_wait3A] : memref<16x2048xf32, #tpu.memory_space<vmem>> -> memref<1x2048xf32, #tpu.memory_space<vmem>>
      %dma_wait3A_50 = tpu.memref_squeeze %dma_wait3A_49 : memref<1x2048xf32, #tpu.memory_space<vmem>> -> memref<2048xf32, #tpu.memory_space<vmem>>
      %dma_wait3A_51 = tpu.memref_slice %arg4[%run_scoped3A_24, %mul3A_2] : memref<16x65536xf32, #tpu.memory_space<hbm>> -> memref<1x2048xf32, #tpu.memory_space<hbm>>
      %dma_wait3A_52 = tpu.memref_squeeze %dma_wait3A_51 : memref<1x2048xf32, #tpu.memory_space<hbm>> -> memref<2048xf32, #tpu.memory_space<hbm>>
      %dma_wait3A_53 = tpu.memref_slice %arg4[%run_scoped3A_24, %mul3A_2] : memref<16x65536xf32, #tpu.memory_space<hbm>> -> memref<1x2048xf32, #tpu.memory_space<hbm>>
      %dma_wait3A_54 = tpu.memref_squeeze %dma_wait3A_53 : memref<1x2048xf32, #tpu.memory_space<hbm>> -> memref<2048xf32, #tpu.memory_space<hbm>>
      %dma_wait3A_55 = arith.constant 0 : i32
      %dma_wait3A_56 = tpu.memref_slice %arg7[%run_scoped3A_23, %dma_wait3A_55] : memref<16x2048xf32, #tpu.memory_space<vmem>> -> memref<1x2048xf32, #tpu.memory_space<vmem>>
      %dma_wait3A_57 = tpu.memref_squeeze %dma_wait3A_56 : memref<1x2048xf32, #tpu.memory_space<vmem>> -> memref<2048xf32, #tpu.memory_space<vmem>>
      tpu.wait_dma2 semaphore(%run_scoped3A_39 : memref<!tpu.dma_semaphore, #tpu.memory_space<semaphore_mem>>) src(%dma_wait3A_57 : memref<2048xf32, #tpu.memory_space<vmem>>) dst(%dma_wait3A_54 : memref<2048xf32, #tpu.memory_space<hbm>>)
      tpu.yield
    }) : () -> ()
    %run_scoped3A_25 = arith.constant 9 : i32
    %run_scoped3A_26 = arith.constant 9 : i32
    "tpu.region"() ({
      %run_scoped3A_39 = tpu.sem_alloc : memref<!tpu.dma_semaphore, #tpu.memory_space<semaphore_mem>>
      %dma_start3A = arith.constant 0 : i32
      %dma_start3A_40 = tpu.memref_slice %arg7[%run_scoped3A_25, %dma_start3A] : memref<16x2048xf32, #tpu.memory_space<vmem>> -> memref<1x2048xf32, #tpu.memory_space<vmem>>
      %dma_start3A_41 = tpu.memref_squeeze %dma_start3A_40 : memref<1x2048xf32, #tpu.memory_space<vmem>> -> memref<2048xf32, #tpu.memory_space<vmem>>
      %dma_start3A_42 = tpu.memref_slice %arg4[%run_scoped3A_26, %mul3A_2] : memref<16x65536xf32, #tpu.memory_space<hbm>> -> memref<1x2048xf32, #tpu.memory_space<hbm>>
      %dma_start3A_43 = tpu.memref_squeeze %dma_start3A_42 : memref<1x2048xf32, #tpu.memory_space<hbm>> -> memref<2048xf32, #tpu.memory_space<hbm>>
      %dma_start3A_44 = tpu.memref_slice %arg4[%run_scoped3A_26, %mul3A_2] : memref<16x65536xf32, #tpu.memory_space<hbm>> -> memref<1x2048xf32, #tpu.memory_space<hbm>>
      %dma_start3A_45 = tpu.memref_squeeze %dma_start3A_44 : memref<1x2048xf32, #tpu.memory_space<hbm>> -> memref<2048xf32, #tpu.memory_space<hbm>>
      %dma_start3A_46 = arith.constant 0 : i32
      %dma_start3A_47 = tpu.memref_slice %arg7[%run_scoped3A_25, %dma_start3A_46] : memref<16x2048xf32, #tpu.memory_space<vmem>> -> memref<1x2048xf32, #tpu.memory_space<vmem>>
      %dma_start3A_48 = tpu.memref_squeeze %dma_start3A_47 : memref<1x2048xf32, #tpu.memory_space<vmem>> -> memref<2048xf32, #tpu.memory_space<vmem>>
      tpu.enqueue_dma source(%dma_start3A_48 : memref<2048xf32, #tpu.memory_space<vmem>>) target(%dma_start3A_45 : memref<2048xf32, #tpu.memory_space<hbm>>) target_semaphore(%run_scoped3A_39 : memref<!tpu.dma_semaphore, #tpu.memory_space<semaphore_mem>>)
      %dma_wait3A = arith.constant 0 : i32
      %dma_wait3A_49 = tpu.memref_slice %arg7[%run_scoped3A_25, %dma_wait3A] : memref<16x2048xf32, #tpu.memory_space<vmem>> -> memref<1x2048xf32, #tpu.memory_space<vmem>>
      %dma_wait3A_50 = tpu.memref_squeeze %dma_wait3A_49 : memref<1x2048xf32, #tpu.memory_space<vmem>> -> memref<2048xf32, #tpu.memory_space<vmem>>
      %dma_wait3A_51 = tpu.memref_slice %arg4[%run_scoped3A_26, %mul3A_2] : memref<16x65536xf32, #tpu.memory_space<hbm>> -> memref<1x2048xf32, #tpu.memory_space<hbm>>
      %dma_wait3A_52 = tpu.memref_squeeze %dma_wait3A_51 : memref<1x2048xf32, #tpu.memory_space<hbm>> -> memref<2048xf32, #tpu.memory_space<hbm>>
      %dma_wait3A_53 = tpu.memref_slice %arg4[%run_scoped3A_26, %mul3A_2] : memref<16x65536xf32, #tpu.memory_space<hbm>> -> memref<1x2048xf32, #tpu.memory_space<hbm>>
      %dma_wait3A_54 = tpu.memref_squeeze %dma_wait3A_53 : memref<1x2048xf32, #tpu.memory_space<hbm>> -> memref<2048xf32, #tpu.memory_space<hbm>>
      %dma_wait3A_55 = arith.constant 0 : i32
      %dma_wait3A_56 = tpu.memref_slice %arg7[%run_scoped3A_25, %dma_wait3A_55] : memref<16x2048xf32, #tpu.memory_space<vmem>> -> memref<1x2048xf32, #tpu.memory_space<vmem>>
      %dma_wait3A_57 = tpu.memref_squeeze %dma_wait3A_56 : memref<1x2048xf32, #tpu.memory_space<vmem>> -> memref<2048xf32, #tpu.memory_space<vmem>>
      tpu.wait_dma2 semaphore(%run_scoped3A_39 : memref<!tpu.dma_semaphore, #tpu.memory_space<semaphore_mem>>) src(%dma_wait3A_57 : memref<2048xf32, #tpu.memory_space<vmem>>) dst(%dma_wait3A_54 : memref<2048xf32, #tpu.memory_space<hbm>>)
      tpu.yield
    }) : () -> ()
    %run_scoped3A_27 = arith.constant 10 : i32
    %run_scoped3A_28 = arith.constant 10 : i32
    "tpu.region"() ({
      %run_scoped3A_39 = tpu.sem_alloc : memref<!tpu.dma_semaphore, #tpu.memory_space<semaphore_mem>>
      %dma_start3A = arith.constant 0 : i32
      %dma_start3A_40 = tpu.memref_slice %arg7[%run_scoped3A_27, %dma_start3A] : memref<16x2048xf32, #tpu.memory_space<vmem>> -> memref<1x2048xf32, #tpu.memory_space<vmem>>
      %dma_start3A_41 = tpu.memref_squeeze %dma_start3A_40 : memref<1x2048xf32, #tpu.memory_space<vmem>> -> memref<2048xf32, #tpu.memory_space<vmem>>
      %dma_start3A_42 = tpu.memref_slice %arg4[%run_scoped3A_28, %mul3A_2] : memref<16x65536xf32, #tpu.memory_space<hbm>> -> memref<1x2048xf32, #tpu.memory_space<hbm>>
      %dma_start3A_43 = tpu.memref_squeeze %dma_start3A_42 : memref<1x2048xf32, #tpu.memory_space<hbm>> -> memref<2048xf32, #tpu.memory_space<hbm>>
      %dma_start3A_44 = tpu.memref_slice %arg4[%run_scoped3A_28, %mul3A_2] : memref<16x65536xf32, #tpu.memory_space<hbm>> -> memref<1x2048xf32, #tpu.memory_space<hbm>>
      %dma_start3A_45 = tpu.memref_squeeze %dma_start3A_44 : memref<1x2048xf32, #tpu.memory_space<hbm>> -> memref<2048xf32, #tpu.memory_space<hbm>>
      %dma_start3A_46 = arith.constant 0 : i32
      %dma_start3A_47 = tpu.memref_slice %arg7[%run_scoped3A_27, %dma_start3A_46] : memref<16x2048xf32, #tpu.memory_space<vmem>> -> memref<1x2048xf32, #tpu.memory_space<vmem>>
      %dma_start3A_48 = tpu.memref_squeeze %dma_start3A_47 : memref<1x2048xf32, #tpu.memory_space<vmem>> -> memref<2048xf32, #tpu.memory_space<vmem>>
      tpu.enqueue_dma source(%dma_start3A_48 : memref<2048xf32, #tpu.memory_space<vmem>>) target(%dma_start3A_45 : memref<2048xf32, #tpu.memory_space<hbm>>) target_semaphore(%run_scoped3A_39 : memref<!tpu.dma_semaphore, #tpu.memory_space<semaphore_mem>>)
      %dma_wait3A = arith.constant 0 : i32
      %dma_wait3A_49 = tpu.memref_slice %arg7[%run_scoped3A_27, %dma_wait3A] : memref<16x2048xf32, #tpu.memory_space<vmem>> -> memref<1x2048xf32, #tpu.memory_space<vmem>>
      %dma_wait3A_50 = tpu.memref_squeeze %dma_wait3A_49 : memref<1x2048xf32, #tpu.memory_space<vmem>> -> memref<2048xf32, #tpu.memory_space<vmem>>
      %dma_wait3A_51 = tpu.memref_slice %arg4[%run_scoped3A_28, %mul3A_2] : memref<16x65536xf32, #tpu.memory_space<hbm>> -> memref<1x2048xf32, #tpu.memory_space<hbm>>
      %dma_wait3A_52 = tpu.memref_squeeze %dma_wait3A_51 : memref<1x2048xf32, #tpu.memory_space<hbm>> -> memref<2048xf32, #tpu.memory_space<hbm>>
      %dma_wait3A_53 = tpu.memref_slice %arg4[%run_scoped3A_28, %mul3A_2] : memref<16x65536xf32, #tpu.memory_space<hbm>> -> memref<1x2048xf32, #tpu.memory_space<hbm>>
      %dma_wait3A_54 = tpu.memref_squeeze %dma_wait3A_53 : memref<1x2048xf32, #tpu.memory_space<hbm>> -> memref<2048xf32, #tpu.memory_space<hbm>>
      %dma_wait3A_55 = arith.constant 0 : i32
      %dma_wait3A_56 = tpu.memref_slice %arg7[%run_scoped3A_27, %dma_wait3A_55] : memref<16x2048xf32, #tpu.memory_space<vmem>> -> memref<1x2048xf32, #tpu.memory_space<vmem>>
      %dma_wait3A_57 = tpu.memref_squeeze %dma_wait3A_56 : memref<1x2048xf32, #tpu.memory_space<vmem>> -> memref<2048xf32, #tpu.memory_space<vmem>>
      tpu.wait_dma2 semaphore(%run_scoped3A_39 : memref<!tpu.dma_semaphore, #tpu.memory_space<semaphore_mem>>) src(%dma_wait3A_57 : memref<2048xf32, #tpu.memory_space<vmem>>) dst(%dma_wait3A_54 : memref<2048xf32, #tpu.memory_space<hbm>>)
      tpu.yield
    }) : () -> ()
    %run_scoped3A_29 = arith.constant 11 : i32
    %run_scoped3A_30 = arith.constant 11 : i32
    "tpu.region"() ({
      %run_scoped3A_39 = tpu.sem_alloc : memref<!tpu.dma_semaphore, #tpu.memory_space<semaphore_mem>>
      %dma_start3A = arith.constant 0 : i32
      %dma_start3A_40 = tpu.memref_slice %arg7[%run_scoped3A_29, %dma_start3A] : memref<16x2048xf32, #tpu.memory_space<vmem>> -> memref<1x2048xf32, #tpu.memory_space<vmem>>
      %dma_start3A_41 = tpu.memref_squeeze %dma_start3A_40 : memref<1x2048xf32, #tpu.memory_space<vmem>> -> memref<2048xf32, #tpu.memory_space<vmem>>
      %dma_start3A_42 = tpu.memref_slice %arg4[%run_scoped3A_30, %mul3A_2] : memref<16x65536xf32, #tpu.memory_space<hbm>> -> memref<1x2048xf32, #tpu.memory_space<hbm>>
      %dma_start3A_43 = tpu.memref_squeeze %dma_start3A_42 : memref<1x2048xf32, #tpu.memory_space<hbm>> -> memref<2048xf32, #tpu.memory_space<hbm>>
      %dma_start3A_44 = tpu.memref_slice %arg4[%run_scoped3A_30, %mul3A_2] : memref<16x65536xf32, #tpu.memory_space<hbm>> -> memref<1x2048xf32, #tpu.memory_space<hbm>>
      %dma_start3A_45 = tpu.memref_squeeze %dma_start3A_44 : memref<1x2048xf32, #tpu.memory_space<hbm>> -> memref<2048xf32, #tpu.memory_space<hbm>>
      %dma_start3A_46 = arith.constant 0 : i32
      %dma_start3A_47 = tpu.memref_slice %arg7[%run_scoped3A_29, %dma_start3A_46] : memref<16x2048xf32, #tpu.memory_space<vmem>> -> memref<1x2048xf32, #tpu.memory_space<vmem>>
      %dma_start3A_48 = tpu.memref_squeeze %dma_start3A_47 : memref<1x2048xf32, #tpu.memory_space<vmem>> -> memref<2048xf32, #tpu.memory_space<vmem>>
      tpu.enqueue_dma source(%dma_start3A_48 : memref<2048xf32, #tpu.memory_space<vmem>>) target(%dma_start3A_45 : memref<2048xf32, #tpu.memory_space<hbm>>) target_semaphore(%run_scoped3A_39 : memref<!tpu.dma_semaphore, #tpu.memory_space<semaphore_mem>>)
      %dma_wait3A = arith.constant 0 : i32
      %dma_wait3A_49 = tpu.memref_slice %arg7[%run_scoped3A_29, %dma_wait3A] : memref<16x2048xf32, #tpu.memory_space<vmem>> -> memref<1x2048xf32, #tpu.memory_space<vmem>>
      %dma_wait3A_50 = tpu.memref_squeeze %dma_wait3A_49 : memref<1x2048xf32, #tpu.memory_space<vmem>> -> memref<2048xf32, #tpu.memory_space<vmem>>
      %dma_wait3A_51 = tpu.memref_slice %arg4[%run_scoped3A_30, %mul3A_2] : memref<16x65536xf32, #tpu.memory_space<hbm>> -> memref<1x2048xf32, #tpu.memory_space<hbm>>
      %dma_wait3A_52 = tpu.memref_squeeze %dma_wait3A_51 : memref<1x2048xf32, #tpu.memory_space<hbm>> -> memref<2048xf32, #tpu.memory_space<hbm>>
      %dma_wait3A_53 = tpu.memref_slice %arg4[%run_scoped3A_30, %mul3A_2] : memref<16x65536xf32, #tpu.memory_space<hbm>> -> memref<1x2048xf32, #tpu.memory_space<hbm>>
      %dma_wait3A_54 = tpu.memref_squeeze %dma_wait3A_53 : memref<1x2048xf32, #tpu.memory_space<hbm>> -> memref<2048xf32, #tpu.memory_space<hbm>>
      %dma_wait3A_55 = arith.constant 0 : i32
      %dma_wait3A_56 = tpu.memref_slice %arg7[%run_scoped3A_29, %dma_wait3A_55] : memref<16x2048xf32, #tpu.memory_space<vmem>> -> memref<1x2048xf32, #tpu.memory_space<vmem>>
      %dma_wait3A_57 = tpu.memref_squeeze %dma_wait3A_56 : memref<1x2048xf32, #tpu.memory_space<vmem>> -> memref<2048xf32, #tpu.memory_space<vmem>>
      tpu.wait_dma2 semaphore(%run_scoped3A_39 : memref<!tpu.dma_semaphore, #tpu.memory_space<semaphore_mem>>) src(%dma_wait3A_57 : memref<2048xf32, #tpu.memory_space<vmem>>) dst(%dma_wait3A_54 : memref<2048xf32, #tpu.memory_space<hbm>>)
      tpu.yield
    }) : () -> ()
    %run_scoped3A_31 = arith.constant 12 : i32
    %run_scoped3A_32 = arith.constant 12 : i32
    "tpu.region"() ({
      %run_scoped3A_39 = tpu.sem_alloc : memref<!tpu.dma_semaphore, #tpu.memory_space<semaphore_mem>>
      %dma_start3A = arith.constant 0 : i32
      %dma_start3A_40 = tpu.memref_slice %arg7[%run_scoped3A_31, %dma_start3A] : memref<16x2048xf32, #tpu.memory_space<vmem>> -> memref<1x2048xf32, #tpu.memory_space<vmem>>
      %dma_start3A_41 = tpu.memref_squeeze %dma_start3A_40 : memref<1x2048xf32, #tpu.memory_space<vmem>> -> memref<2048xf32, #tpu.memory_space<vmem>>
      %dma_start3A_42 = tpu.memref_slice %arg4[%run_scoped3A_32, %mul3A_2] : memref<16x65536xf32, #tpu.memory_space<hbm>> -> memref<1x2048xf32, #tpu.memory_space<hbm>>
      %dma_start3A_43 = tpu.memref_squeeze %dma_start3A_42 : memref<1x2048xf32, #tpu.memory_space<hbm>> -> memref<2048xf32, #tpu.memory_space<hbm>>
      %dma_start3A_44 = tpu.memref_slice %arg4[%run_scoped3A_32, %mul3A_2] : memref<16x65536xf32, #tpu.memory_space<hbm>> -> memref<1x2048xf32, #tpu.memory_space<hbm>>
      %dma_start3A_45 = tpu.memref_squeeze %dma_start3A_44 : memref<1x2048xf32, #tpu.memory_space<hbm>> -> memref<2048xf32, #tpu.memory_space<hbm>>
      %dma_start3A_46 = arith.constant 0 : i32
      %dma_start3A_47 = tpu.memref_slice %arg7[%run_scoped3A_31, %dma_start3A_46] : memref<16x2048xf32, #tpu.memory_space<vmem>> -> memref<1x2048xf32, #tpu.memory_space<vmem>>
      %dma_start3A_48 = tpu.memref_squeeze %dma_start3A_47 : memref<1x2048xf32, #tpu.memory_space<vmem>> -> memref<2048xf32, #tpu.memory_space<vmem>>
      tpu.enqueue_dma source(%dma_start3A_48 : memref<2048xf32, #tpu.memory_space<vmem>>) target(%dma_start3A_45 : memref<2048xf32, #tpu.memory_space<hbm>>) target_semaphore(%run_scoped3A_39 : memref<!tpu.dma_semaphore, #tpu.memory_space<semaphore_mem>>)
      %dma_wait3A = arith.constant 0 : i32
      %dma_wait3A_49 = tpu.memref_slice %arg7[%run_scoped3A_31, %dma_wait3A] : memref<16x2048xf32, #tpu.memory_space<vmem>> -> memref<1x2048xf32, #tpu.memory_space<vmem>>
      %dma_wait3A_50 = tpu.memref_squeeze %dma_wait3A_49 : memref<1x2048xf32, #tpu.memory_space<vmem>> -> memref<2048xf32, #tpu.memory_space<vmem>>
      %dma_wait3A_51 = tpu.memref_slice %arg4[%run_scoped3A_32, %mul3A_2] : memref<16x65536xf32, #tpu.memory_space<hbm>> -> memref<1x2048xf32, #tpu.memory_space<hbm>>
      %dma_wait3A_52 = tpu.memref_squeeze %dma_wait3A_51 : memref<1x2048xf32, #tpu.memory_space<hbm>> -> memref<2048xf32, #tpu.memory_space<hbm>>
      %dma_wait3A_53 = tpu.memref_slice %arg4[%run_scoped3A_32, %mul3A_2] : memref<16x65536xf32, #tpu.memory_space<hbm>> -> memref<1x2048xf32, #tpu.memory_space<hbm>>
      %dma_wait3A_54 = tpu.memref_squeeze %dma_wait3A_53 : memref<1x2048xf32, #tpu.memory_space<hbm>> -> memref<2048xf32, #tpu.memory_space<hbm>>
      %dma_wait3A_55 = arith.constant 0 : i32
      %dma_wait3A_56 = tpu.memref_slice %arg7[%run_scoped3A_31, %dma_wait3A_55] : memref<16x2048xf32, #tpu.memory_space<vmem>> -> memref<1x2048xf32, #tpu.memory_space<vmem>>
      %dma_wait3A_57 = tpu.memref_squeeze %dma_wait3A_56 : memref<1x2048xf32, #tpu.memory_space<vmem>> -> memref<2048xf32, #tpu.memory_space<vmem>>
      tpu.wait_dma2 semaphore(%run_scoped3A_39 : memref<!tpu.dma_semaphore, #tpu.memory_space<semaphore_mem>>) src(%dma_wait3A_57 : memref<2048xf32, #tpu.memory_space<vmem>>) dst(%dma_wait3A_54 : memref<2048xf32, #tpu.memory_space<hbm>>)
      tpu.yield
    }) : () -> ()
    %run_scoped3A_33 = arith.constant 13 : i32
    %run_scoped3A_34 = arith.constant 13 : i32
    "tpu.region"() ({
      %run_scoped3A_39 = tpu.sem_alloc : memref<!tpu.dma_semaphore, #tpu.memory_space<semaphore_mem>>
      %dma_start3A = arith.constant 0 : i32
      %dma_start3A_40 = tpu.memref_slice %arg7[%run_scoped3A_33, %dma_start3A] : memref<16x2048xf32, #tpu.memory_space<vmem>> -> memref<1x2048xf32, #tpu.memory_space<vmem>>
      %dma_start3A_41 = tpu.memref_squeeze %dma_start3A_40 : memref<1x2048xf32, #tpu.memory_space<vmem>> -> memref<2048xf32, #tpu.memory_space<vmem>>
      %dma_start3A_42 = tpu.memref_slice %arg4[%run_scoped3A_34, %mul3A_2] : memref<16x65536xf32, #tpu.memory_space<hbm>> -> memref<1x2048xf32, #tpu.memory_space<hbm>>
      %dma_start3A_43 = tpu.memref_squeeze %dma_start3A_42 : memref<1x2048xf32, #tpu.memory_space<hbm>> -> memref<2048xf32, #tpu.memory_space<hbm>>
      %dma_start3A_44 = tpu.memref_slice %arg4[%run_scoped3A_34, %mul3A_2] : memref<16x65536xf32, #tpu.memory_space<hbm>> -> memref<1x2048xf32, #tpu.memory_space<hbm>>
      %dma_start3A_45 = tpu.memref_squeeze %dma_start3A_44 : memref<1x2048xf32, #tpu.memory_space<hbm>> -> memref<2048xf32, #tpu.memory_space<hbm>>
      %dma_start3A_46 = arith.constant 0 : i32
      %dma_start3A_47 = tpu.memref_slice %arg7[%run_scoped3A_33, %dma_start3A_46] : memref<16x2048xf32, #tpu.memory_space<vmem>> -> memref<1x2048xf32, #tpu.memory_space<vmem>>
      %dma_start3A_48 = tpu.memref_squeeze %dma_start3A_47 : memref<1x2048xf32, #tpu.memory_space<vmem>> -> memref<2048xf32, #tpu.memory_space<vmem>>
      tpu.enqueue_dma source(%dma_start3A_48 : memref<2048xf32, #tpu.memory_space<vmem>>) target(%dma_start3A_45 : memref<2048xf32, #tpu.memory_space<hbm>>) target_semaphore(%run_scoped3A_39 : memref<!tpu.dma_semaphore, #tpu.memory_space<semaphore_mem>>)
      %dma_wait3A = arith.constant 0 : i32
      %dma_wait3A_49 = tpu.memref_slice %arg7[%run_scoped3A_33, %dma_wait3A] : memref<16x2048xf32, #tpu.memory_space<vmem>> -> memref<1x2048xf32, #tpu.memory_space<vmem>>
      %dma_wait3A_50 = tpu.memref_squeeze %dma_wait3A_49 : memref<1x2048xf32, #tpu.memory_space<vmem>> -> memref<2048xf32, #tpu.memory_space<vmem>>
      %dma_wait3A_51 = tpu.memref_slice %arg4[%run_scoped3A_34, %mul3A_2] : memref<16x65536xf32, #tpu.memory_space<hbm>> -> memref<1x2048xf32, #tpu.memory_space<hbm>>
      %dma_wait3A_52 = tpu.memref_squeeze %dma_wait3A_51 : memref<1x2048xf32, #tpu.memory_space<hbm>> -> memref<2048xf32, #tpu.memory_space<hbm>>
      %dma_wait3A_53 = tpu.memref_slice %arg4[%run_scoped3A_34, %mul3A_2] : memref<16x65536xf32, #tpu.memory_space<hbm>> -> memref<1x2048xf32, #tpu.memory_space<hbm>>
      %dma_wait3A_54 = tpu.memref_squeeze %dma_wait3A_53 : memref<1x2048xf32, #tpu.memory_space<hbm>> -> memref<2048xf32, #tpu.memory_space<hbm>>
      %dma_wait3A_55 = arith.constant 0 : i32
      %dma_wait3A_56 = tpu.memref_slice %arg7[%run_scoped3A_33, %dma_wait3A_55] : memref<16x2048xf32, #tpu.memory_space<vmem>> -> memref<1x2048xf32, #tpu.memory_space<vmem>>
      %dma_wait3A_57 = tpu.memref_squeeze %dma_wait3A_56 : memref<1x2048xf32, #tpu.memory_space<vmem>> -> memref<2048xf32, #tpu.memory_space<vmem>>
      tpu.wait_dma2 semaphore(%run_scoped3A_39 : memref<!tpu.dma_semaphore, #tpu.memory_space<semaphore_mem>>) src(%dma_wait3A_57 : memref<2048xf32, #tpu.memory_space<vmem>>) dst(%dma_wait3A_54 : memref<2048xf32, #tpu.memory_space<hbm>>)
      tpu.yield
    }) : () -> ()
    %run_scoped3A_35 = arith.constant 14 : i32
    %run_scoped3A_36 = arith.constant 14 : i32
    "tpu.region"() ({
      %run_scoped3A_39 = tpu.sem_alloc : memref<!tpu.dma_semaphore, #tpu.memory_space<semaphore_mem>>
      %dma_start3A = arith.constant 0 : i32
      %dma_start3A_40 = tpu.memref_slice %arg7[%run_scoped3A_35, %dma_start3A] : memref<16x2048xf32, #tpu.memory_space<vmem>> -> memref<1x2048xf32, #tpu.memory_space<vmem>>
      %dma_start3A_41 = tpu.memref_squeeze %dma_start3A_40 : memref<1x2048xf32, #tpu.memory_space<vmem>> -> memref<2048xf32, #tpu.memory_space<vmem>>
      %dma_start3A_42 = tpu.memref_slice %arg4[%run_scoped3A_36, %mul3A_2] : memref<16x65536xf32, #tpu.memory_space<hbm>> -> memref<1x2048xf32, #tpu.memory_space<hbm>>
      %dma_start3A_43 = tpu.memref_squeeze %dma_start3A_42 : memref<1x2048xf32, #tpu.memory_space<hbm>> -> memref<2048xf32, #tpu.memory_space<hbm>>
      %dma_start3A_44 = tpu.memref_slice %arg4[%run_scoped3A_36, %mul3A_2] : memref<16x65536xf32, #tpu.memory_space<hbm>> -> memref<1x2048xf32, #tpu.memory_space<hbm>>
      %dma_start3A_45 = tpu.memref_squeeze %dma_start3A_44 : memref<1x2048xf32, #tpu.memory_space<hbm>> -> memref<2048xf32, #tpu.memory_space<hbm>>
      %dma_start3A_46 = arith.constant 0 : i32
      %dma_start3A_47 = tpu.memref_slice %arg7[%run_scoped3A_35, %dma_start3A_46] : memref<16x2048xf32, #tpu.memory_space<vmem>> -> memref<1x2048xf32, #tpu.memory_space<vmem>>
      %dma_start3A_48 = tpu.memref_squeeze %dma_start3A_47 : memref<1x2048xf32, #tpu.memory_space<vmem>> -> memref<2048xf32, #tpu.memory_space<vmem>>
      tpu.enqueue_dma source(%dma_start3A_48 : memref<2048xf32, #tpu.memory_space<vmem>>) target(%dma_start3A_45 : memref<2048xf32, #tpu.memory_space<hbm>>) target_semaphore(%run_scoped3A_39 : memref<!tpu.dma_semaphore, #tpu.memory_space<semaphore_mem>>)
      %dma_wait3A = arith.constant 0 : i32
      %dma_wait3A_49 = tpu.memref_slice %arg7[%run_scoped3A_35, %dma_wait3A] : memref<16x2048xf32, #tpu.memory_space<vmem>> -> memref<1x2048xf32, #tpu.memory_space<vmem>>
      %dma_wait3A_50 = tpu.memref_squeeze %dma_wait3A_49 : memref<1x2048xf32, #tpu.memory_space<vmem>> -> memref<2048xf32, #tpu.memory_space<vmem>>
      %dma_wait3A_51 = tpu.memref_slice %arg4[%run_scoped3A_36, %mul3A_2] : memref<16x65536xf32, #tpu.memory_space<hbm>> -> memref<1x2048xf32, #tpu.memory_space<hbm>>
      %dma_wait3A_52 = tpu.memref_squeeze %dma_wait3A_51 : memref<1x2048xf32, #tpu.memory_space<hbm>> -> memref<2048xf32, #tpu.memory_space<hbm>>
      %dma_wait3A_53 = tpu.memref_slice %arg4[%run_scoped3A_36, %mul3A_2] : memref<16x65536xf32, #tpu.memory_space<hbm>> -> memref<1x2048xf32, #tpu.memory_space<hbm>>
      %dma_wait3A_54 = tpu.memref_squeeze %dma_wait3A_53 : memref<1x2048xf32, #tpu.memory_space<hbm>> -> memref<2048xf32, #tpu.memory_space<hbm>>
      %dma_wait3A_55 = arith.constant 0 : i32
      %dma_wait3A_56 = tpu.memref_slice %arg7[%run_scoped3A_35, %dma_wait3A_55] : memref<16x2048xf32, #tpu.memory_space<vmem>> -> memref<1x2048xf32, #tpu.memory_space<vmem>>
      %dma_wait3A_57 = tpu.memref_squeeze %dma_wait3A_56 : memref<1x2048xf32, #tpu.memory_space<vmem>> -> memref<2048xf32, #tpu.memory_space<vmem>>
      tpu.wait_dma2 semaphore(%run_scoped3A_39 : memref<!tpu.dma_semaphore, #tpu.memory_space<semaphore_mem>>) src(%dma_wait3A_57 : memref<2048xf32, #tpu.memory_space<vmem>>) dst(%dma_wait3A_54 : memref<2048xf32, #tpu.memory_space<hbm>>)
      tpu.yield
    }) : () -> ()
    %run_scoped3A_37 = arith.constant 15 : i32
    %run_scoped3A_38 = arith.constant 15 : i32
    "tpu.region"() ({
      %run_scoped3A_39 = tpu.sem_alloc : memref<!tpu.dma_semaphore, #tpu.memory_space<semaphore_mem>>
      %dma_start3A = arith.constant 0 : i32
      %dma_start3A_40 = tpu.memref_slice %arg7[%run_scoped3A_37, %dma_start3A] : memref<16x2048xf32, #tpu.memory_space<vmem>> -> memref<1x2048xf32, #tpu.memory_space<vmem>>
      %dma_start3A_41 = tpu.memref_squeeze %dma_start3A_40 : memref<1x2048xf32, #tpu.memory_space<vmem>> -> memref<2048xf32, #tpu.memory_space<vmem>>
      %dma_start3A_42 = tpu.memref_slice %arg4[%run_scoped3A_38, %mul3A_2] : memref<16x65536xf32, #tpu.memory_space<hbm>> -> memref<1x2048xf32, #tpu.memory_space<hbm>>
      %dma_start3A_43 = tpu.memref_squeeze %dma_start3A_42 : memref<1x2048xf32, #tpu.memory_space<hbm>> -> memref<2048xf32, #tpu.memory_space<hbm>>
      %dma_start3A_44 = tpu.memref_slice %arg4[%run_scoped3A_38, %mul3A_2] : memref<16x65536xf32, #tpu.memory_space<hbm>> -> memref<1x2048xf32, #tpu.memory_space<hbm>>
      %dma_start3A_45 = tpu.memref_squeeze %dma_start3A_44 : memref<1x2048xf32, #tpu.memory_space<hbm>> -> memref<2048xf32, #tpu.memory_space<hbm>>
      %dma_start3A_46 = arith.constant 0 : i32
      %dma_start3A_47 = tpu.memref_slice %arg7[%run_scoped3A_37, %dma_start3A_46] : memref<16x2048xf32, #tpu.memory_space<vmem>> -> memref<1x2048xf32, #tpu.memory_space<vmem>>
      %dma_start3A_48 = tpu.memref_squeeze %dma_start3A_47 : memref<1x2048xf32, #tpu.memory_space<vmem>> -> memref<2048xf32, #tpu.memory_space<vmem>>
      tpu.enqueue_dma source(%dma_start3A_48 : memref<2048xf32, #tpu.memory_space<vmem>>) target(%dma_start3A_45 : memref<2048xf32, #tpu.memory_space<hbm>>) target_semaphore(%run_scoped3A_39 : memref<!tpu.dma_semaphore, #tpu.memory_space<semaphore_mem>>)
      %dma_wait3A = arith.constant 0 : i32
      %dma_wait3A_49 = tpu.memref_slice %arg7[%run_scoped3A_37, %dma_wait3A] : memref<16x2048xf32, #tpu.memory_space<vmem>> -> memref<1x2048xf32, #tpu.memory_space<vmem>>
      %dma_wait3A_50 = tpu.memref_squeeze %dma_wait3A_49 : memref<1x2048xf32, #tpu.memory_space<vmem>> -> memref<2048xf32, #tpu.memory_space<vmem>>
      %dma_wait3A_51 = tpu.memref_slice %arg4[%run_scoped3A_38, %mul3A_2] : memref<16x65536xf32, #tpu.memory_space<hbm>> -> memref<1x2048xf32, #tpu.memory_space<hbm>>
      %dma_wait3A_52 = tpu.memref_squeeze %dma_wait3A_51 : memref<1x2048xf32, #tpu.memory_space<hbm>> -> memref<2048xf32, #tpu.memory_space<hbm>>
      %dma_wait3A_53 = tpu.memref_slice %arg4[%run_scoped3A_38, %mul3A_2] : memref<16x65536xf32, #tpu.memory_space<hbm>> -> memref<1x2048xf32, #tpu.memory_space<hbm>>
      %dma_wait3A_54 = tpu.memref_squeeze %dma_wait3A_53 : memref<1x2048xf32, #tpu.memory_space<hbm>> -> memref<2048xf32, #tpu.memory_space<hbm>>
      %dma_wait3A_55 = arith.constant 0 : i32
      %dma_wait3A_56 = tpu.memref_slice %arg7[%run_scoped3A_37, %dma_wait3A_55] : memref<16x2048xf32, #tpu.memory_space<vmem>> -> memref<1x2048xf32, #tpu.memory_space<vmem>>
      %dma_wait3A_57 = tpu.memref_squeeze %dma_wait3A_56 : memref<1x2048xf32, #tpu.memory_space<vmem>> -> memref<2048xf32, #tpu.memory_space<vmem>>
      tpu.wait_dma2 semaphore(%run_scoped3A_39 : memref<!tpu.dma_semaphore, #tpu.memory_space<semaphore_mem>>) src(%dma_wait3A_57 : memref<2048xf32, #tpu.memory_space<vmem>>) dst(%dma_wait3A_54 : memref<2048xf32, #tpu.memory_space<hbm>>)
      tpu.yield
    }) : () -> ()
    return
  }
}

</mosaic_0001>

<sc_bundles>
// kernel: kernel.3.cloned.1.call-start
scs
__scs_entry_jumppad:
0x0: {  	(pc) =	sbr.rel $0x88, $3  }
0x1: {  	(tag) =	ssettag $0x0;
	lr =	simm.s32 $0x1  }
0x2: {  	[smem:$0x3F9F] =	sst lr;
	_ =	strace $0xD0000000  }
0x3: {  	_ = 	snop  }
0x4: {  	_ = 	snop  }
0x5: {  	_ = 	snop  }
0x6: {  	_ = 	snop  }
0x7: {  	_ = 	snop  }
__scs_overlays_trampoline_lowered:
0x8: {  	[smem:$0x3FAE] =	sst s0  }
0x9: {  	[smem:$0x3FAF] =	sst s1  }
0xa: {  	[smem:$0x3FB0] =	sst s2  }
0xb: {  	[smem:$0x3FB1] =	sst s3  }
0xc: {  	[smem:$0x3FB2] =	sst s4  }
0xd: {  	[smem:$0x3FB3] =	sst s5  }
0xe: {  	[smem:$0x3FB4] =	sst s6  }
0xf: {  	[smem:$0x3FB5] =	sst s7  }
0x10: {  	[smem:$0x3FB6] =	sst s8  }
0x11: {  	[smem:$0x3FB7] =	sst s9;
	s0 =	simm.s32 @!p0 $0x0  }
0x12: {  	s1 =	sld [smem:$0x3F9D];
	s0 =	simm.s32 @p0 $0x1  }
0x13: {  	[smem:$0x3FB8] =	sst s0;
	s0 =	simm.s32 @!p1 $0x0  }
0x14: {  	s2 =	sld [smem:$0x3F9C];
	s0 =	simm.s32 @p1 $0x1  }
0x15: {  	[smem:$0x3FB9] =	sst s0;
	s0 =	simm.s32 @!p2 $0x0  }
0x16: {  	s3 =	sld [smem:$0x3FDB];
	s0 =	simm.s32 @p2 $0x1  }
0x17: {  	s4 =	simm.s32 $0x1BF5;
	[smem:$0x3FBB] =	sst s0  }
0x18: {  	s0 =	sld [smem:$0x3F9E];
	_ =	swait.ge [sflag:s4], $0x0  }
0x19: {  	s7 =	sld [smem:$0x3F9F]  }
0x1a: {  	s8 =	sadd.s32 $0xFFFFE003, lr  }
0x1b: {  	s9 =	sadd.s32 $0xFFFFFEF7, lr;
	s5 =	simm.s32 $0xFFFFFFFF;
	p2 =	slt.u32 s8, $0xFFFFF086  }
0x1c: {  	p1 =	slt.u32 s9, $0xF7A;
	s5 =	simm.s32 @!p2 $0x0  }
0x1d: {  	s5 =	simm.s32 @p1 $0x1;
	p0 =	seq.s32 s7, s2  }
0x1e: {  	s7 =	smul.u32 @!p0 $0xF7A, s2;
	p2 =	seq.s32 @!p0 s5, $0x0  }
0x1f: {  	s9 =	smul.u32 $0xF7A, s1;
	s8 =	simm.s32 @!p0 $0x1BF5;
	p2 =	por !p2, p0  }
0x20: {  	[sflag:s8] =	ssyncset.s32 @!p0 $0xFFFFF086;
	s6 =	sadd.s32 @!p0 s3, s7;
	s7 =	simm.s32 @!p0 $0x108  }
0x21: {  	s3 =	sadd.s32 s3, s9;
	s6 =	sadd.s32 @!p0 $0x88, s6;
	s7 =	simm.s32 @p2 $0x1082  }
0x22: {  	[simem:s7], [sflag:s8] =	dma.local @!p0 [hbm:s6], $0xF7A  }
0x23: {  	s9 =	sor.u32 $0xD0000000, s2;
	s6 =	simm.s32 $0x108;
	_ =	swait.ge @!p0 [sflag:s8], $0x0  }
0x24: {  	s3 =	sadd.s32 $0x88, s3;
	s6 =	simm.s32 @!p1 $0x1082;
	[sflag:s4] =	ssyncset.s32 $0xFFFFF086  }
0x25: {  	[simem:s6], [sflag:s4] =	dma.local [hbm:s3], $0xF7A  }
0x26: {  	[smem:$0x3F9F] =	sst s1;
	(tag) =	ssettag s2;
	_ =	strace s9  }
0x27: {  	s1 =	sld [smem:$0x3FAF]  }
0x28: {  	s2 =	sld [smem:$0x3FB0]  }
0x29: {  	s4 =	sld [smem:$0x3FB2]  }
0x2a: {  	p0 =	seq.s32 s5, $0x0;
	s5 =	sld [smem:$0x3FB3]  }
0x2b: {  	s6 =	sld [smem:$0x3FB4]  }
0x2c: {  	s7 =	sld [smem:$0x3FB5]  }
0x2d: {  	s3 =	simm.s32 $0x108;
	s8 =	sld [smem:$0x3FB6]  }
0x2e: {  	s3 =	simm.s32 @!p0 $0x1082;
	s9 =	sld [smem:$0x3FB7]  }
0x2f: {  	lr =	sadd.s32 s0, s3;
	s0 =	sld [smem:$0x3FAE]  }
0x30: {  	s3 =	sld [smem:$0x3FB1]  }
0x31: {  	[smem:$0x3FBA] =	sst s10  }
0x32: {  	s10 =	sld [smem:$0x3FB8];
	_ =	sdelay $0x3  }
0x33: {  	p0 =	seq.s32 s10, $0x1;
	s10 =	sld [smem:$0x3FBA];
	_ =	sdelay $0x3  }
0x34: {  	[smem:$0x3FBA] =	sst s10  }
0x35: {  	s10 =	sld [smem:$0x3FB9];
	_ =	sdelay $0x3  }
0x36: {  	p1 =	seq.s32 s10, $0x1;
	s10 =	sld [smem:$0x3FBA];
	_ =	sdelay $0x3  }
0x37: {  	[smem:$0x3FBA] =	sst s10  }
0x38: {  	s10 =	sld [smem:$0x3FBB]  }
0x39: {  	_ = 	snop;
	(pc) =	sbr.ind lr, $3  }
0x3a: {  	_ = 	snop  }
0x3b: {  	_ = 	snop  }
0x3c: {  	p2 =	seq.s32 s10, $0x1;
	s10 =	sld [smem:$0x3FBA]  }
0x3d: {  	_ =	shalt  }
0x3e: {  	_ =	shalt  }
0x3f: {  	_ =	shalt  }
0x40: {  	_ =	shalt  }
0x41: {  	_ =	shalt  }
0x42: {  	_ =	shalt  }
0x43: {  	_ =	shalt  }
0x44: {  	_ =	shalt  }
0x45: {  	_ =	shalt  }
0x46: {  	_ =	shalt  }
0x47: {  	_ =	shalt  }
0x48: {  	_ =	shalt  }
0x49: {  	_ =	shalt  }
0x4a: {  	_ =	shalt  }
0x4b: {  	_ =	shalt  }
0x4c: {  	_ =	shalt  }
0x4d: {  	_ =	shalt  }
0x4e: {  	_ =	shalt  }
0x4f: {  	_ =	shalt  }
0x50: {  	_ =	shalt  }
0x51: {  	_ =	shalt  }
0x52: {  	_ =	shalt  }
0x53: {  	_ =	shalt  }
0x54: {  	_ =	shalt  }
0x55: {  	_ =	shalt  }
0x56: {  	_ =	shalt  }
0x57: {  	_ =	shalt  }
0x58: {  	_ =	shalt  }
0x59: {  	_ =	shalt  }
0x5a: {  	_ =	shalt  }
0x5b: {  	_ =	shalt  }
0x5c: {  	_ =	shalt  }
0x5d: {  	_ =	shalt  }
0x5e: {  	_ =	shalt  }
0x5f: {  	_ =	shalt  }
0x60: {  	_ =	shalt  }
0x61: {  	_ =	shalt  }
0x62: {  	_ =	shalt  }
0x63: {  	_ =	shalt  }
0x64: {  	_ =	shalt  }
0x65: {  	_ =	shalt  }
0x66: {  	_ =	shalt  }
0x67: {  	_ =	shalt  }
0x68: {  	_ =	shalt  }
0x69: {  	_ =	shalt  }
0x6a: {  	_ =	shalt  }
0x6b: {  	_ =	shalt  }
0x6c: {  	_ =	shalt  }
0x6d: {  	_ =	shalt  }
0x6e: {  	_ =	shalt  }
0x6f: {  	_ =	shalt  }
0x70: {  	_ =	shalt  }
0x71: {  	_ =	shalt  }
0x72: {  	_ =	shalt  }
0x73: {  	_ =	shalt  }
0x74: {  	_ =	shalt  }
0x75: {  	_ =	shalt  }
0x76: {  	_ =	shalt  }
0x77: {  	_ =	shalt  }
0x78: {  	_ =	shalt  }
0x79: {  	_ =	shalt  }
0x7a: {  	_ =	shalt  }
0x7b: {  	_ =	shalt  }
0x7c: {  	_ =	shalt  }
0x7d: {  	_ =	shalt  }
0x7e: {  	_ =	shalt  }
0x7f: {  	_ =	shalt  }
0x80: {  	_ =	shalt  }
0x81: {  	_ =	shalt  }
0x82: {  	_ =	shalt  }
0x83: {  	_ =	shalt  }
0x84: {  	_ =	shalt  }
0x85: {  	_ =	shalt  }
0x86: {  	_ =	shalt  }
0x87: {  	_ =	shalt  }
.Lfunc_end0:
.L_simem_size_0:
called_computation_lowered:
.L_overlay_start_0:
0x88: {  	s2 =	sld [smem:$0x3FD9]  }
0x89: {  	s3 =	sld [smem:$0x3FFE];
	_ =	sdelay $0x1  }
0x8a: {  	s1 =	srdreg.scid  }
0x8b: {  	s0 =	sand.u32 $0x1, s1  }
0x8c: {  	s17 =	sshll.u32 s0, $0xA;
	s2 =	sadd.s32 s3, s2  }
0x8d: {  	s2 =	sadd.s32 s2, s17  }
0x8e: {  	[smem:$0x3FC6] =	sst s2  }
0x8f: {  	_ = 	snop  }
0x90: {  	s2 =	sld [smem:$0x3FD0];
	(tm) =	ssettm $0x1  }
0x91: {  	s18 =	sld [smem:$0x3FFB];
	_ =	sdelay $0x3  }
0x92: {  	_ =	strace s18  }
0x93: {  	s3 =	sld [smem:$0x3FFC];
	_ =	sdelay $0x3  }
0x94: {  	_ =	strace s3  }
0x95: {  	s3 =	sld [smem:$0x3FFD];
	_ =	sdelay $0x3  }
0x96: {  	_ =	strace s3  }
0x97: {  	_ =	strace $0x8FFFFFFF  }
0x98: {  	s19 =	sld [smem:$0x3FDB];
	_ =	sdelay $0x1  }
0x99: {  	s4 =	simm.s32 $_scs_section_size  }
0x9a: {  	s5 =	simm.s32 $_size__tile_overlayer_lowered;
	s6 =	simm.s32 $_tile_overlayer_lowered  }
0x9b: {  	s22 =	simm.s32 $0x1BFF;
	s21 =	sshll.u32 s6, $0x1;
	s3 =	sadd.s32 s4, s19  }
0x9c: {  	s7 =	simm.s32 $0x0;
	s20 =	sshll.u32 s5, $0x1;
	s5 =	sadd.s32 s21, s3  }
0x9d: {  	[timem:s7], [sflag:s22] =	dma.local [hbm:s5], s20  }
0x9e: {  	_ =	swait.ge [sflag:s22], s20  }
0x9f: {  	s4 =	ssub.s32 $0x0, s20;
	[sflag:s22] =	ssyncset.done $0x0  }
0xa0: {  	[sflag:s22] =	ssyncadd.s32 s4;
	_ =	sdelay $0x1  }
0xa1: {  	s23 =	simm.s32 $0x1B8B  }
0xa2: {  	_ =	swait.ge [sflag:s23], $0x1  }
0xa3: {  	[sflag:s23] =	ssyncset.done $0x0  }
0xa4: {  	s25 =	simm.s32 $0x1B8E;
	s24 =	sld [smem:$0x3FFE];
	[sflag:s23] =	ssyncadd.s32 $0xFFFFFFFF  }
0xa5: {  	s26 =	simm.s32 $execute0_lowered;
	[smem:$0x3FD2] =	sst s25  }
0xa6: {  	s5 =	sshll.u32 s26, $0x1;
	_ =	strace $0x80000046;
	[dreg:$0x1] =	wrdreg $0xFFFFFFFF  }
0xa7: {  	s28 =	simm.s32 $_size_execute0_lowered;
	s3 =	sadd.s32 s3, s5;
	[dreg:$0x0] =	wrdreg $0x0  }
0xa8: {  	s5 =	sshll.u32 s28, $0x1;
	[dreg:$0x2] =	wrdreg s3  }
0xa9: {  	[dreg:$0x3] =	wrdreg s5  }
0xaa: {  	[dreg:$0x4] =	wrdreg $0xC0  }
0xab: {  	_ =	task [dreg:s7], $0x5FFFF  }
0xac: {  	[dreg:$0x1] =	wrdreg $0xFFFFFFFF  }
0xad: {  	[dreg:$0x0] =	wrdreg $0x60  }
0xae: {  	[dreg:$0x2] =	wrdreg s24  }
0xaf: {  	[dreg:$0x3] =	wrdreg s2  }
0xb0: {  	[dreg:$0x4] =	wrdreg $0x9  }
0xb1: {  	_ =	task.clear_ibuf [dreg:s7], $0x5FFFF;
	_ =	strace $0x90000046  }
0xb2: {  	s29 =	simm.s32 $0x9;
	_ =	strace $0x80000048  }
0xb3: {  	_ =	swait.ge [sflag:s29], $0x1  }
0xb4: {  	[sflag:s29] =	ssyncadd.s32 $0xFFFFFFFF  }
0xb5: {  	_ =	strace $0x90000048  }
0xb6: {  	_ =	sfence  }
0xb7: {  	s30 =	sld [smem:$0x0];
	_ =	sdelay $0x2  }
0xb8: {  	s31 =	sshll.u32 s1, $0xD;
	s1 =	sshrl.u32 s1, $0x2  }
0xb9: {  	s3 =	sand.u32 $0x4000, s31;
	s1 =	sadd.s32 s1, s30  }
0xba: {  	s0 =	sor.u32 s3, s0;
	s1 =	sshll.u32 s1, $0x11  }
0xbb: {  	s0 =	sor.u32 s1, s0  }
0xbc: {  	s0 =	sadd.s32 $0x8F2B, s0  }
0xbd: {  	[sflag:s0] =	ssyncadd.remote.s32 $0x1  }
0xbe: {  	_ =	sfence.sel $0xFFFF  }
0xbf: {  	[dreg:$0x0] =	wrdreg $0xFFFFFFFF;
	(pc) =	sbr.abs _section_cstart, $3  }
0xc0: {  	[dreg:$0x1] =	wrdreg $0xFFFFFFFF  }
0xc1: {  	_ =	task.clear_ibuf [dreg:s7], $0x2FFFF;
	_ =	strace $0x9FFFFFFF  }
0xc2: {  	(tm) =	ssettm $0x7FFFFFFF  }
0xc3: {  	_ =	shalt  }
tec
execute0_lowered:
.L_overlay_start_1:
0x0: {  	(tag) =	ssettag $0x1  }
0x1: {  	s0 =	rddreg [dreg:$0x0]  }
0x2: {  	s1 =	rddreg [dreg:$0x1];
	s2 =	simm.s32 $0x0;
	s3 =	srdreg.scid  }
0x3: {  	s4 =	stileid.u32;
	s22 =	simm.s32 $0x1;
	s26 =	simm.s32 $0xBC00  }
0x4: {  	s28 =	simm.s32 $0xC000;
	s29 =	simm.s32 $0xC400;
	s30 =	simm.s32 $0x0  }
0x5: {  	[smem:$0x7FF] =	sst s2;
	s3 =	sand.u32 $0x1, s3;
	s4 =	sshll.u32 s4, $0xC  }
0x6: {  	_ =	strace $0x80000047;
	s5 =	sshll.u32 s3, $0xB;
	s6 =	ssub.s32 $0x2, s3  }
0x7: {  	s3 =	sadd.s32 $0x400, s0;
	s4 =	sor.u32 s5, s4;
	s31 =	sshrl.u32 s6, $0x1  }
0x8: {  	s0 =	sadd.s32 s4, s0;
	s21 =	ssub.s32 s6, s31;
	s4 =	sshrl.u32 s4, $0x3  }
0x9: {  	s4 =	sadd.s32 s1, s4;
	s5 =	sadd.s32 $0xC00, s0;
	s6 =	sadd.s32 $0xC10, s0  }
0xa: {  	s7 =	sadd.s32 $0xC20, s0;
	s8 =	sadd.s32 $0xC30, s0;
	s9 =	sadd.s32 $0xC40, s0  }
0xb: {  	s10 =	sadd.s32 $0xC50, s0;
	s11 =	sadd.s32 $0xC60, s0;
	s12 =	sadd.s32 $0xC70, s0  }
0xc: {  	s13 =	sadd.s32 $0x10C00, s0;
	s14 =	sadd.s32 $0x10C10, s0;
	s15 =	sadd.s32 $0x10C20, s0  }
0xd: {  	s16 =	sadd.s32 $0x10C30, s0;
	s17 =	sadd.s32 $0x10C40, s0;
	s18 =	sadd.s32 $0x10C50, s0  }
0xe: {  	s19 =	sadd.s32 $0x10C60, s0;
	s20 =	sadd.s32 $0x10C70, s0;
	s21 =	smax.u32 s21, $0x1  }
.LBB2_1:
0xf: {  	[tilespmem:s2], [sflag:$0x1] =	stream.linear.gather [hbm4b:s3+s2], $0x3C80, $0x38;
	[tilespmem:$0xC480] =	vst v63  }
0x10: {  	_ =	swait.ge [sflag:s22], $0x3C80  }
0x11: {  	[sflag:s22] =	ssyncset.done $0x0  }
0x12: {  	s31 =	simm.s32 $0x3C80;
	[sflag:s22] =	ssyncadd.s32 $0xFFFFC380  }
0x13: {  	[tilespmem:s31], [sflag:$0x1] =	stream.linear.gather [hbm4b:s4+s2], $0x800, $0x38;
	[tilespmem:$0xC480] =	vst v63  }
0x14: {  	_ =	swait.ge [sflag:s22], $0x800  }
0x15: {  	[sflag:s22] =	ssyncset.done $0x0  }
0x16: {  	[sflag:s22] =	ssyncadd.s32 $0xFFFFF800  }
0x17: {  	v0 =	vld [tilespmem:s31+$0x0];
	_ =	sdelay $0x4  }
0x18: {  	v0 =	vshll.u32 v0, $0x4;
	_ =	sdelay $0x4  }
0x19: {  	v1 =	vld.idx.msk [tilespmem:v0+s2+$0x0], $0xffff  }
0x1a: {  	v2 =	vor.u32 $0x1, v0;
	_ =	sdelay $0x1  }
0x1b: {  	s0 =	sand.u32 $0x70, s2;
	s1 =	sand.u32 $0x3C00, s2  }
0x1c: {  	s0 =	sor.u32 s0, s1  }
0x1d: {  	[tilespmem:s0+$0x4480] =	vst v1  }
0x1e: {  	v1 =	vld.idx.msk [tilespmem:v2+s2+$0x0], $0xffff  }
0x1f: {  	v2 =	vor.u32 $0x2, v0;
	_ =	sdelay $0x3  }
0x20: {  	[tilespmem:s0+$0x4500] =	vst v1  }
0x21: {  	v1 =	vld.idx.msk [tilespmem:v2+s2+$0x0], $0xffff  }
0x22: {  	v2 =	vor.u32 $0x3, v0;
	_ =	sdelay $0x3  }
0x23: {  	[tilespmem:s0+$0x4580] =	vst v1  }
0x24: {  	v1 =	vld.idx.msk [tilespmem:v2+s2+$0x0], $0xffff  }
0x25: {  	v2 =	vor.u32 $0x4, v0;
	_ =	sdelay $0x3  }
0x26: {  	[tilespmem:s0+$0x4600] =	vst v1  }
0x27: {  	v1 =	vld.idx.msk [tilespmem:v2+s2+$0x0], $0xffff  }
0x28: {  	v2 =	vor.u32 $0x5, v0;
	_ =	sdelay $0x3  }
0x29: {  	[tilespmem:s0+$0x4680] =	vst v1  }
0x2a: {  	v1 =	vld.idx.msk [tilespmem:v2+s2+$0x0], $0xffff  }
0x2b: {  	v2 =	vor.u32 $0x6, v0;
	_ =	sdelay $0x3  }
0x2c: {  	[tilespmem:s0+$0x4700] =	vst v1  }
0x2d: {  	v1 =	vld.idx.msk [tilespmem:v2+s2+$0x0], $0xffff  }
0x2e: {  	v2 =	vor.u32 $0x7, v0;
	_ =	sdelay $0x3  }
0x2f: {  	[tilespmem:s0+$0x4780] =	vst v1  }
0x30: {  	v1 =	vld.idx.msk [tilespmem:v2+s2+$0x0], $0xffff  }
0x31: {  	s25 =	sand.u32 $0x7, s2;
	v2 =	vor.u32 $0x8, v0  }
0x32: {  	s1 =	sshll.u32 s25, $0x4  }
0x33: {  	s1 =	sadd.s32 $0x0, s1  }
0x34: {  	s1 =	sor.u32 $0x380, s1  }
0x35: {  	[tilespmem:s1+$0x4480] =	vst v1  }
0x36: {  	v1 =	vld.idx.msk [tilespmem:v2+s2+$0x0], $0xffff  }
0x37: {  	v2 =	vor.u32 $0x9, v0;
	_ =	sdelay $0x3  }
0x38: {  	[tilespmem:s0+$0x8480] =	vst v1  }
0x39: {  	v1 =	vld.idx.msk [tilespmem:v2+s2+$0x0], $0xffff  }
0x3a: {  	v2 =	vor.u32 $0xA, v0;
	_ =	sdelay $0x3  }
0x3b: {  	[tilespmem:s0+$0x8500] =	vst v1  }
0x3c: {  	v1 =	vld.idx.msk [tilespmem:v2+s2+$0x0], $0xffff  }
0x3d: {  	v2 =	vor.u32 $0xB, v0;
	_ =	sdelay $0x3  }
0x3e: {  	[tilespmem:s0+$0x8580] =	vst v1  }
0x3f: {  	v1 =	vld.idx.msk [tilespmem:v2+s2+$0x0], $0xffff  }
0x40: {  	v2 =	vor.u32 $0xC, v0;
	_ =	sdelay $0x3  }
0x41: {  	[tilespmem:s0+$0x8600] =	vst v1  }
0x42: {  	v1 =	vld.idx.msk [tilespmem:v2+s2+$0x0], $0xffff  }
0x43: {  	v2 =	vor.u32 $0xD, v0;
	_ =	sdelay $0x3  }
0x44: {  	[tilespmem:s0+$0x8680] =	vst v1  }
0x45: {  	v1 =	vld.idx.msk [tilespmem:v2+s2+$0x0], $0xffff  }
0x46: {  	v2 =	vor.u32 $0xE, v0;
	_ =	sdelay $0x3  }
0x47: {  	[tilespmem:s0+$0x8700] =	vst v1  }
0x48: {  	v1 =	vld.idx.msk [tilespmem:v2+s2+$0x0], $0xffff  }
0x49: {  	v0 =	vor.u32 $0xF, v0;
	_ =	sdelay $0x3  }
0x4a: {  	[tilespmem:s0+$0x8780] =	vst v1  }
0x4b: {  	s23 =	simm.s32 $0x0;
	s24 =	simm.s32 $0x0;
	s1 =	simm.s32 $0x10;
	v0 =	vld.idx.msk [tilespmem:v0+s2+$0x0], $0xffff  }
.LBB2_2:
0x4c: {  	_ =	sdelay $0x3  }
0x4d: {  	s23 =	sadd.s32 $0x80, s23;
	s24 =	sadd.s32 $0x1, s24;
	s31 =	sadd.s32 $0x10, s31;
	[tilespmem:s0+$0x8800] =	vst v0  }
0x4e: {  	p0 =	sne.s32 s1, $0x7F0;
	s0 =	smov.u32 s1;
	s1 =	sadd.s32 $0x10, s1;
	v0 =	vld [tilespmem:s31+$0x0]  }
0x4f: {  	_ =	sdelay $0x3  }
0x50: {  	v0 =	vshll.u32 v0, $0x4;
	_ =	sdelay $0x4  }
0x51: {  	v1 =	vld.idx.msk [tilespmem:v0+s2+$0x0], $0xffff;
	_ =	sdelay $0x1  }
0x52: {  	v2 =	vor.u32 $0x1, v0;
	_ =	sdelay $0x1  }
0x53: {  	s25 =	sand.u32 $0x3C00, s23;
	s0 =	sand.u32 $0x70, s0  }
0x54: {  	s0 =	sor.u32 s0, s25  }
0x55: {  	[tilespmem:s0+$0x4480] =	vst v1  }
0x56: {  	v1 =	vld.idx.msk [tilespmem:v2+s2+$0x0], $0xffff;
	_ =	sdelay $0x1  }
0x57: {  	v2 =	vor.u32 $0x2, v0;
	_ =	sdelay $0x3  }
0x58: {  	[tilespmem:s0+$0x4500] =	vst v1  }
0x59: {  	v1 =	vld.idx.msk [tilespmem:v2+s2+$0x0], $0xffff;
	_ =	sdelay $0x1  }
0x5a: {  	v2 =	vor.u32 $0x3, v0;
	_ =	sdelay $0x3  }
0x5b: {  	[tilespmem:s0+$0x4580] =	vst v1  }
0x5c: {  	v1 =	vld.idx.msk [tilespmem:v2+s2+$0x0], $0xffff;
	_ =	sdelay $0x1  }
0x5d: {  	v2 =	vor.u32 $0x4, v0;
	_ =	sdelay $0x3  }
0x5e: {  	[tilespmem:s0+$0x4600] =	vst v1  }
0x5f: {  	v1 =	vld.idx.msk [tilespmem:v2+s2+$0x0], $0xffff;
	_ =	sdelay $0x1  }
0x60: {  	v2 =	vor.u32 $0x5, v0;
	_ =	sdelay $0x3  }
0x61: {  	[tilespmem:s0+$0x4680] =	vst v1  }
0x62: {  	v1 =	vld.idx.msk [tilespmem:v2+s2+$0x0], $0xffff;
	_ =	sdelay $0x1  }
0x63: {  	v2 =	vor.u32 $0x6, v0;
	_ =	sdelay $0x3  }
0x64: {  	[tilespmem:s0+$0x4700] =	vst v1  }
0x65: {  	v1 =	vld.idx.msk [tilespmem:v2+s2+$0x0], $0xffff;
	_ =	sdelay $0x1  }
0x66: {  	v2 =	vor.u32 $0x7, v0;
	_ =	sdelay $0x3  }
0x67: {  	[tilespmem:s0+$0x4780] =	vst v1  }
0x68: {  	v1 =	vld.idx.msk [tilespmem:v2+s2+$0x0], $0xffff;
	_ =	sdelay $0x1  }
0x69: {  	s25 =	sand.u32 $0x7, s24;
	v2 =	vor.u32 $0x8, v0  }
0x6a: {  	s25 =	sshll.u32 s25, $0x4  }
0x6b: {  	s25 =	sadd.s32 s25, s23  }
0x6c: {  	s25 =	sor.u32 $0x380, s25  }
0x6d: {  	[tilespmem:s25+$0x4480] =	vst v1  }
0x6e: {  	v1 =	vld.idx.msk [tilespmem:v2+s2+$0x0], $0xffff;
	_ =	sdelay $0x1  }
0x6f: {  	v2 =	vor.u32 $0x9, v0;
	_ =	sdelay $0x3  }
0x70: {  	[tilespmem:s0+$0x8480] =	vst v1  }
0x71: {  	v1 =	vld.idx.msk [tilespmem:v2+s2+$0x0], $0xffff;
	_ =	sdelay $0x1  }
0x72: {  	v2 =	vor.u32 $0xA, v0;
	_ =	sdelay $0x3  }
0x73: {  	[tilespmem:s0+$0x8500] =	vst v1  }
0x74: {  	v1 =	vld.idx.msk [tilespmem:v2+s2+$0x0], $0xffff;
	_ =	sdelay $0x1  }
0x75: {  	v2 =	vor.u32 $0xB, v0;
	_ =	sdelay $0x3  }
0x76: {  	[tilespmem:s0+$0x8580] =	vst v1  }
0x77: {  	v1 =	vld.idx.msk [tilespmem:v2+s2+$0x0], $0xffff;
	_ =	sdelay $0x1  }
0x78: {  	v2 =	vor.u32 $0xC, v0;
	_ =	sdelay $0x3  }
0x79: {  	[tilespmem:s0+$0x8600] =	vst v1  }
0x7a: {  	v1 =	vld.idx.msk [tilespmem:v2+s2+$0x0], $0xffff;
	_ =	sdelay $0x1  }
0x7b: {  	v2 =	vor.u32 $0xD, v0;
	_ =	sdelay $0x3  }
0x7c: {  	[tilespmem:s0+$0x8680] =	vst v1  }
0x7d: {  	v1 =	vld.idx.msk [tilespmem:v2+s2+$0x0], $0xffff;
	_ =	sdelay $0x1  }
0x7e: {  	v2 =	vor.u32 $0xE, v0;
	_ =	sdelay $0x3  }
0x7f: {  	[tilespmem:s0+$0x8700] =	vst v1  }
0x80: {  	v1 =	vld.idx.msk [tilespmem:v2+s2+$0x0], $0xffff;
	_ =	sdelay $0x1  }
0x81: {  	v0 =	vor.u32 $0xF, v0  }
.Ltmp0:
0x82: {  	(pc) =	sbr.rel @p0 .LBB2_2-.Ltmp0, $3  }
0x83: {  	_ =	sdelay $0x1  }
0x84: {  	[tilespmem:s0+$0x8780] =	vst v1  }
0x85: {  	v0 =	vld.idx.msk [tilespmem:v0+s2+$0x0], $0xffff  }
0x86: {  	_ =	sdelay $0x3  }
0x87: {  	s23 =	simm.s32 $0x4480;
	[tilespmem:s0+$0x8800] =	vst v0  }
0x88: {  	[hbm4b:s5+s2] =	stream.linear.scatter [tilespmem:s23], [sflag:$0x1], $0x80, $0x38;
	[tilespmem:$0xC480] =	vst v63  }
0x89: {  	s24 =	sadd.s32 $0x80, s5;
	s1 =	simm.s32 $0x4880  }
0x8a: {  	[hbm4b:s24+s2] =	stream.linear.scatter [tilespmem:s1], [sflag:$0x1], $0x80, $0x38;
	[tilespmem:$0xC480] =	vst v63  }
0x8b: {  	s25 =	sadd.s32 $0x100, s5;
	s31 =	simm.s32 $0x4C80  }
0x8c: {  	[hbm4b:s25+s2] =	stream.linear.scatter [tilespmem:s31], [sflag:$0x1], $0x80, $0x38;
	[tilespmem:$0xC480] =	vst v63  }
0x8d: {  	s23 =	sadd.s32 $0x180, s5;
	s24 =	simm.s32 $0x5080  }
0x8e: {  	[hbm4b:s23+s2] =	stream.linear.scatter [tilespmem:s24], [sflag:$0x1], $0x80, $0x38;
	[tilespmem:$0xC480] =	vst v63  }
0x8f: {  	s25 =	sadd.s32 $0x200, s5;
	s31 =	simm.s32 $0x5480  }
0x90: {  	[hbm4b:s25+s2] =	stream.linear.scatter [tilespmem:s31], [sflag:$0x1], $0x80, $0x38;
	[tilespmem:$0xC480] =	vst v63  }
0x91: {  	s23 =	sadd.s32 $0x280, s5;
	s24 =	simm.s32 $0x5880  }
0x92: {  	[hbm4b:s23+s2] =	stream.linear.scatter [tilespmem:s24], [sflag:$0x1], $0x80, $0x38;
	[tilespmem:$0xC480] =	vst v63  }
0x93: {  	s25 =	sadd.s32 $0x300, s5;
	s31 =	simm.s32 $0x5C80  }
0x94: {  	[hbm4b:s25+s2] =	stream.linear.scatter [tilespmem:s31], [sflag:$0x1], $0x80, $0x38;
	[tilespmem:$0xC480] =	vst v63  }
0x95: {  	s23 =	sadd.s32 $0x380, s5;
	s24 =	simm.s32 $0x6080  }
0x96: {  	[hbm4b:s23+s2] =	stream.linear.scatter [tilespmem:s24], [sflag:$0x1], $0x80, $0x38;
	[tilespmem:$0xC480] =	vst v63  }
0x97: {  	s25 =	sadd.s32 $0x400, s5;
	s31 =	simm.s32 $0x6480  }
0x98: {  	[hbm4b:s25+s2] =	stream.linear.scatter [tilespmem:s31], [sflag:$0x1], $0x80, $0x38;
	[tilespmem:$0xC480] =	vst v63  }
0x99: {  	s23 =	sadd.s32 $0x480, s5;
	s24 =	simm.s32 $0x6880  }
0x9a: {  	[hbm4b:s23+s2] =	stream.linear.scatter [tilespmem:s24], [sflag:$0x1], $0x80, $0x38;
	[tilespmem:$0xC480] =	vst v63  }
0x9b: {  	s25 =	sadd.s32 $0x500, s5;
	s31 =	simm.s32 $0x6C80  }
0x9c: {  	[hbm4b:s25+s2] =	stream.linear.scatter [tilespmem:s31], [sflag:$0x1], $0x80, $0x38;
	[tilespmem:$0xC480] =	vst v63  }
0x9d: {  	s23 =	sadd.s32 $0x580, s5;
	s24 =	simm.s32 $0x7080  }
0x9e: {  	[hbm4b:s23+s2] =	stream.linear.scatter [tilespmem:s24], [sflag:$0x1], $0x80, $0x38;
	[tilespmem:$0xC480] =	vst v63  }
0x9f: {  	s25 =	sadd.s32 $0x600, s5;
	s31 =	simm.s32 $0x7480  }
0xa0: {  	[hbm4b:s25+s2] =	stream.linear.scatter [tilespmem:s31], [sflag:$0x1], $0x80, $0x38;
	[tilespmem:$0xC480] =	vst v63  }
0xa1: {  	s23 =	sadd.s32 $0x680, s5;
	s24 =	simm.s32 $0x7880  }
0xa2: {  	[hbm4b:s23+s2] =	stream.linear.scatter [tilespmem:s24], [sflag:$0x1], $0x80, $0x38;
	[tilespmem:$0xC480] =	vst v63  }
0xa3: {  	s25 =	sadd.s32 $0x700, s5;
	s31 =	simm.s32 $0x7C80  }
0xa4: {  	[hbm4b:s25+s2] =	stream.linear.scatter [tilespmem:s31], [sflag:$0x1], $0x80, $0x38;
	[tilespmem:$0xC480] =	vst v63  }
0xa5: {  	s1 =	sadd.s32 $0x780, s5;
	s23 =	simm.s32 $0x8080  }
0xa6: {  	[hbm4b:s1+s2] =	stream.linear.scatter [tilespmem:s23], [sflag:$0x1], $0x80, $0x38;
	[tilespmem:$0xC480] =	vst v63  }
0xa7: {  	_ =	swait.ge [sflag:s22], $0x800  }
0xa8: {  	[sflag:s22] =	ssyncset.done $0x0  }
0xa9: {  	s24 =	simm.s32 $0x4500;
	[sflag:s22] =	ssyncadd.s32 $0xFFFFF800  }
0xaa: {  	[hbm4b:s6+s2] =	stream.linear.scatter [tilespmem:s24], [sflag:$0x1], $0x80, $0x38;
	[tilespmem:$0xC480] =	vst v63  }
0xab: {  	s25 =	sadd.s32 $0x80, s6;
	s31 =	simm.s32 $0x4900  }
0xac: {  	[hbm4b:s25+s2] =	stream.linear.scatter [tilespmem:s31], [sflag:$0x1], $0x80, $0x38;
	[tilespmem:$0xC480] =	vst v63  }
0xad: {  	s23 =	sadd.s32 $0x100, s6;
	s24 =	simm.s32 $0x4D00  }
0xae: {  	[hbm4b:s23+s2] =	stream.linear.scatter [tilespmem:s24], [sflag:$0x1], $0x80, $0x38;
	[tilespmem:$0xC480] =	vst v63  }
0xaf: {  	s25 =	sadd.s32 $0x180, s6;
	s31 =	simm.s32 $0x5100  }
0xb0: {  	[hbm4b:s25+s2] =	stream.linear.scatter [tilespmem:s31], [sflag:$0x1], $0x80, $0x38;
	[tilespmem:$0xC480] =	vst v63  }
0xb1: {  	s23 =	sadd.s32 $0x200, s6;
	s24 =	simm.s32 $0x5500  }
0xb2: {  	[hbm4b:s23+s2] =	stream.linear.scatter [tilespmem:s24], [sflag:$0x1], $0x80, $0x38;
	[tilespmem:$0xC480] =	vst v63  }
0xb3: {  	s25 =	sadd.s32 $0x280, s6;
	s31 =	simm.s32 $0x5900  }
0xb4: {  	[hbm4b:s25+s2] =	stream.linear.scatter [tilespmem:s31], [sflag:$0x1], $0x80, $0x38;
	[tilespmem:$0xC480] =	vst v63  }
0xb5: {  	s23 =	sadd.s32 $0x300, s6;
	s24 =	simm.s32 $0x5D00  }
0xb6: {  	[hbm4b:s23+s2] =	stream.linear.scatter [tilespmem:s24], [sflag:$0x1], $0x80, $0x38;
	[tilespmem:$0xC480] =	vst v63  }
0xb7: {  	s25 =	sadd.s32 $0x380, s6;
	s31 =	simm.s32 $0x6100  }
0xb8: {  	[hbm4b:s25+s2] =	stream.linear.scatter [tilespmem:s31], [sflag:$0x1], $0x80, $0x38;
	[tilespmem:$0xC480] =	vst v63  }
0xb9: {  	s23 =	sadd.s32 $0x400, s6;
	s24 =	simm.s32 $0x6500  }
0xba: {  	[hbm4b:s23+s2] =	stream.linear.scatter [tilespmem:s24], [sflag:$0x1], $0x80, $0x38;
	[tilespmem:$0xC480] =	vst v63  }
0xbb: {  	s25 =	sadd.s32 $0x480, s6;
	s31 =	simm.s32 $0x6900  }
0xbc: {  	[hbm4b:s25+s2] =	stream.linear.scatter [tilespmem:s31], [sflag:$0x1], $0x80, $0x38;
	[tilespmem:$0xC480] =	vst v63  }
0xbd: {  	s23 =	sadd.s32 $0x500, s6;
	s24 =	simm.s32 $0x6D00  }
0xbe: {  	[hbm4b:s23+s2] =	stream.linear.scatter [tilespmem:s24], [sflag:$0x1], $0x80, $0x38;
	[tilespmem:$0xC480] =	vst v63  }
0xbf: {  	s25 =	sadd.s32 $0x580, s6;
	s31 =	simm.s32 $0x7100  }
0xc0: {  	[hbm4b:s25+s2] =	stream.linear.scatter [tilespmem:s31], [sflag:$0x1], $0x80, $0x38;
	[tilespmem:$0xC480] =	vst v63  }
0xc1: {  	s23 =	sadd.s32 $0x600, s6;
	s24 =	simm.s32 $0x7500  }
0xc2: {  	[hbm4b:s23+s2] =	stream.linear.scatter [tilespmem:s24], [sflag:$0x1], $0x80, $0x38;
	[tilespmem:$0xC480] =	vst v63  }
0xc3: {  	s25 =	sadd.s32 $0x680, s6;
	s31 =	simm.s32 $0x7900  }
0xc4: {  	[hbm4b:s25+s2] =	stream.linear.scatter [tilespmem:s31], [sflag:$0x1], $0x80, $0x38;
	[tilespmem:$0xC480] =	vst v63  }
0xc5: {  	s23 =	sadd.s32 $0x700, s6;
	s24 =	simm.s32 $0x7D00  }
0xc6: {  	[hbm4b:s23+s2] =	stream.linear.scatter [tilespmem:s24], [sflag:$0x1], $0x80, $0x38;
	[tilespmem:$0xC480] =	vst v63  }
0xc7: {  	s25 =	sadd.s32 $0x780, s6;
	s31 =	simm.s32 $0x8100  }
0xc8: {  	[hbm4b:s25+s2] =	stream.linear.scatter [tilespmem:s31], [sflag:$0x1], $0x80, $0x38;
	[tilespmem:$0xC480] =	vst v63  }
0xc9: {  	_ =	swait.ge [sflag:s22], $0x800  }
0xca: {  	[sflag:s22] =	ssyncset.done $0x0  }
0xcb: {  	s1 =	simm.s32 $0x4580;
	[sflag:s22] =	ssyncadd.s32 $0xFFFFF800  }
0xcc: {  	[hbm4b:s7+s2] =	stream.linear.scatter [tilespmem:s1], [sflag:$0x1], $0x80, $0x38;
	[tilespmem:$0xC480] =	vst v63  }
0xcd: {  	s23 =	sadd.s32 $0x80, s7;
	s24 =	simm.s32 $0x4980  }
0xce: {  	[hbm4b:s23+s2] =	stream.linear.scatter [tilespmem:s24], [sflag:$0x1], $0x80, $0x38;
	[tilespmem:$0xC480] =	vst v63  }
0xcf: {  	s25 =	sadd.s32 $0x100, s7;
	s31 =	simm.s32 $0x4D80  }
0xd0: {  	[hbm4b:s25+s2] =	stream.linear.scatter [tilespmem:s31], [sflag:$0x1], $0x80, $0x38;
	[tilespmem:$0xC480] =	vst v63  }
0xd1: {  	s23 =	sadd.s32 $0x180, s7;
	s24 =	simm.s32 $0x5180  }
0xd2: {  	[hbm4b:s23+s2] =	stream.linear.scatter [tilespmem:s24], [sflag:$0x1], $0x80, $0x38;
	[tilespmem:$0xC480] =	vst v63  }
0xd3: {  	s25 =	sadd.s32 $0x200, s7;
	s31 =	simm.s32 $0x5580  }
0xd4: {  	[hbm4b:s25+s2] =	stream.linear.scatter [tilespmem:s31], [sflag:$0x1], $0x80, $0x38;
	[tilespmem:$0xC480] =	vst v63  }
0xd5: {  	s23 =	sadd.s32 $0x280, s7;
	s24 =	simm.s32 $0x5980  }
0xd6: {  	[hbm4b:s23+s2] =	stream.linear.scatter [tilespmem:s24], [sflag:$0x1], $0x80, $0x38;
	[tilespmem:$0xC480] =	vst v63  }
0xd7: {  	s25 =	sadd.s32 $0x300, s7;
	s31 =	simm.s32 $0x5D80  }
0xd8: {  	[hbm4b:s25+s2] =	stream.linear.scatter [tilespmem:s31], [sflag:$0x1], $0x80, $0x38;
	[tilespmem:$0xC480] =	vst v63  }
0xd9: {  	s23 =	sadd.s32 $0x380, s7;
	s24 =	simm.s32 $0x6180  }
0xda: {  	[hbm4b:s23+s2] =	stream.linear.scatter [tilespmem:s24], [sflag:$0x1], $0x80, $0x38;
	[tilespmem:$0xC480] =	vst v63  }
0xdb: {  	s25 =	sadd.s32 $0x400, s7;
	s31 =	simm.s32 $0x6580  }
0xdc: {  	[hbm4b:s25+s2] =	stream.linear.scatter [tilespmem:s31], [sflag:$0x1], $0x80, $0x38;
	[tilespmem:$0xC480] =	vst v63  }
0xdd: {  	s23 =	sadd.s32 $0x480, s7;
	s24 =	simm.s32 $0x6980  }
0xde: {  	[hbm4b:s23+s2] =	stream.linear.scatter [tilespmem:s24], [sflag:$0x1], $0x80, $0x38;
	[tilespmem:$0xC480] =	vst v63  }
0xdf: {  	s25 =	sadd.s32 $0x500, s7;
	s31 =	simm.s32 $0x6D80  }
0xe0: {  	[hbm4b:s25+s2] =	stream.linear.scatter [tilespmem:s31], [sflag:$0x1], $0x80, $0x38;
	[tilespmem:$0xC480] =	vst v63  }
0xe1: {  	s23 =	sadd.s32 $0x580, s7;
	s24 =	simm.s32 $0x7180  }
0xe2: {  	[hbm4b:s23+s2] =	stream.linear.scatter [tilespmem:s24], [sflag:$0x1], $0x80, $0x38;
	[tilespmem:$0xC480] =	vst v63  }
0xe3: {  	s25 =	sadd.s32 $0x600, s7;
	s31 =	simm.s32 $0x7580  }
0xe4: {  	[hbm4b:s25+s2] =	stream.linear.scatter [tilespmem:s31], [sflag:$0x1], $0x80, $0x38;
	[tilespmem:$0xC480] =	vst v63  }
0xe5: {  	s23 =	sadd.s32 $0x680, s7;
	s24 =	simm.s32 $0x7980  }
0xe6: {  	[hbm4b:s23+s2] =	stream.linear.scatter [tilespmem:s24], [sflag:$0x1], $0x80, $0x38;
	[tilespmem:$0xC480] =	vst v63  }
0xe7: {  	s25 =	sadd.s32 $0x700, s7;
	s31 =	simm.s32 $0x7D80  }
0xe8: {  	[hbm4b:s25+s2] =	stream.linear.scatter [tilespmem:s31], [sflag:$0x1], $0x80, $0x38;
	[tilespmem:$0xC480] =	vst v63  }
0xe9: {  	s1 =	sadd.s32 $0x780, s7;
	s23 =	simm.s32 $0x8180  }
0xea: {  	[hbm4b:s1+s2] =	stream.linear.scatter [tilespmem:s23], [sflag:$0x1], $0x80, $0x38;
	[tilespmem:$0xC480] =	vst v63  }
0xeb: {  	_ =	swait.ge [sflag:s22], $0x800  }
0xec: {  	[sflag:s22] =	ssyncset.done $0x0  }
0xed: {  	s24 =	simm.s32 $0x4600;
	[sflag:s22] =	ssyncadd.s32 $0xFFFFF800  }
0xee: {  	[hbm4b:s8+s2] =	stream.linear.scatter [tilespmem:s24], [sflag:$0x1], $0x80, $0x38;
	[tilespmem:$0xC480] =	vst v63  }
0xef: {  	s25 =	sadd.s32 $0x80, s8;
	s31 =	simm.s32 $0x4A00  }
0xf0: {  	[hbm4b:s25+s2] =	stream.linear.scatter [tilespmem:s31], [sflag:$0x1], $0x80, $0x38;
	[tilespmem:$0xC480] =	vst v63  }
0xf1: {  	s23 =	sadd.s32 $0x100, s8;
	s24 =	simm.s32 $0x4E00  }
0xf2: {  	[hbm4b:s23+s2] =	stream.linear.scatter [tilespmem:s24], [sflag:$0x1], $0x80, $0x38;
	[tilespmem:$0xC480] =	vst v63  }
0xf3: {  	s25 =	sadd.s32 $0x180, s8;
	s31 =	simm.s32 $0x5200  }
0xf4: {  	[hbm4b:s25+s2] =	stream.linear.scatter [tilespmem:s31], [sflag:$0x1], $0x80, $0x38;
	[tilespmem:$0xC480] =	vst v63  }
0xf5: {  	s23 =	sadd.s32 $0x200, s8;
	s24 =	simm.s32 $0x5600  }
0xf6: {  	[hbm4b:s23+s2] =	stream.linear.scatter [tilespmem:s24], [sflag:$0x1], $0x80, $0x38;
	[tilespmem:$0xC480] =	vst v63  }
0xf7: {  	s25 =	sadd.s32 $0x280, s8;
	s31 =	simm.s32 $0x5A00  }
0xf8: {  	[hbm4b:s25+s2] =	stream.linear.scatter [tilespmem:s31], [sflag:$0x1], $0x80, $0x38;
	[tilespmem:$0xC480] =	vst v63  }
0xf9: {  	s23 =	sadd.s32 $0x300, s8;
	s24 =	simm.s32 $0x5E00  }
0xfa: {  	[hbm4b:s23+s2] =	stream.linear.scatter [tilespmem:s24], [sflag:$0x1], $0x80, $0x38;
	[tilespmem:$0xC480] =	vst v63  }
0xfb: {  	s25 =	sadd.s32 $0x380, s8;
	s31 =	simm.s32 $0x6200  }
0xfc: {  	[hbm4b:s25+s2] =	stream.linear.scatter [tilespmem:s31], [sflag:$0x1], $0x80, $0x38;
	[tilespmem:$0xC480] =	vst v63  }
0xfd: {  	s23 =	sadd.s32 $0x400, s8;
	s24 =	simm.s32 $0x6600  }
0xfe: {  	[hbm4b:s23+s2] =	stream.linear.scatter [tilespmem:s24], [sflag:$0x1], $0x80, $0x38;
	[tilespmem:$0xC480] =	vst v63  }
0xff: {  	s25 =	sadd.s32 $0x480, s8;
	s31 =	simm.s32 $0x6A00  }
0x100: {  	[hbm4b:s25+s2] =	stream.linear.scatter [tilespmem:s31], [sflag:$0x1], $0x80, $0x38;
	[tilespmem:$0xC480] =	vst v63  }
0x101: {  	s23 =	sadd.s32 $0x500, s8;
	s24 =	simm.s32 $0x6E00  }
0x102: {  	[hbm4b:s23+s2] =	stream.linear.scatter [tilespmem:s24], [sflag:$0x1], $0x80, $0x38;
	[tilespmem:$0xC480] =	vst v63  }
0x103: {  	s25 =	sadd.s32 $0x580, s8;
	s31 =	simm.s32 $0x7200  }
0x104: {  	[hbm4b:s25+s2] =	stream.linear.scatter [tilespmem:s31], [sflag:$0x1], $0x80, $0x38;
	[tilespmem:$0xC480] =	vst v63  }
0x105: {  	s23 =	sadd.s32 $0x600, s8;
	s24 =	simm.s32 $0x7600  }
0x106: {  	[hbm4b:s23+s2] =	stream.linear.scatter [tilespmem:s24], [sflag:$0x1], $0x80, $0x38;
	[tilespmem:$0xC480] =	vst v63  }
0x107: {  	s25 =	sadd.s32 $0x680, s8;
	s31 =	simm.s32 $0x7A00  }
0x108: {  	[hbm4b:s25+s2] =	stream.linear.scatter [tilespmem:s31], [sflag:$0x1], $0x80, $0x38;
	[tilespmem:$0xC480] =	vst v63  }
0x109: {  	s23 =	sadd.s32 $0x700, s8;
	s24 =	simm.s32 $0x7E00  }
0x10a: {  	[hbm4b:s23+s2] =	stream.linear.scatter [tilespmem:s24], [sflag:$0x1], $0x80, $0x38;
	[tilespmem:$0xC480] =	vst v63  }
0x10b: {  	s25 =	sadd.s32 $0x780, s8;
	s31 =	simm.s32 $0x8200  }
0x10c: {  	[hbm4b:s25+s2] =	stream.linear.scatter [tilespmem:s31], [sflag:$0x1], $0x80, $0x38;
	[tilespmem:$0xC480] =	vst v63  }
0x10d: {  	_ =	swait.ge [sflag:s22], $0x800  }
0x10e: {  	[sflag:s22] =	ssyncset.done $0x0  }
0x10f: {  	s1 =	simm.s32 $0x4680;
	[sflag:s22] =	ssyncadd.s32 $0xFFFFF800  }
0x110: {  	[hbm4b:s9+s2] =	stream.linear.scatter [tilespmem:s1], [sflag:$0x1], $0x80, $0x38;
	[tilespmem:$0xC480] =	vst v63  }
0x111: {  	s23 =	sadd.s32 $0x80, s9;
	s24 =	simm.s32 $0x4A80  }
0x112: {  	[hbm4b:s23+s2] =	stream.linear.scatter [tilespmem:s24], [sflag:$0x1], $0x80, $0x38;
	[tilespmem:$0xC480] =	vst v63  }
0x113: {  	s25 =	sadd.s32 $0x100, s9;
	s31 =	simm.s32 $0x4E80  }
0x114: {  	[hbm4b:s25+s2] =	stream.linear.scatter [tilespmem:s31], [sflag:$0x1], $0x80, $0x38;
	[tilespmem:$0xC480] =	vst v63  }
0x115: {  	s23 =	sadd.s32 $0x180, s9;
	s24 =	simm.s32 $0x5280  }
0x116: {  	[hbm4b:s23+s2] =	stream.linear.scatter [tilespmem:s24], [sflag:$0x1], $0x80, $0x38;
	[tilespmem:$0xC480] =	vst v63  }
0x117: {  	s25 =	sadd.s32 $0x200, s9;
	s31 =	simm.s32 $0x5680  }
0x118: {  	[hbm4b:s25+s2] =	stream.linear.scatter [tilespmem:s31], [sflag:$0x1], $0x80, $0x38;
	[tilespmem:$0xC480] =	vst v63  }
0x119: {  	s23 =	sadd.s32 $0x280, s9;
	s24 =	simm.s32 $0x5A80  }
0x11a: {  	[hbm4b:s23+s2] =	stream.linear.scatter [tilespmem:s24], [sflag:$0x1], $0x80, $0x38;
	[tilespmem:$0xC480] =	vst v63  }
0x11b: {  	s25 =	sadd.s32 $0x300, s9;
	s31 =	simm.s32 $0x5E80  }
0x11c: {  	[hbm4b:s25+s2] =	stream.linear.scatter [tilespmem:s31], [sflag:$0x1], $0x80, $0x38;
	[tilespmem:$0xC480] =	vst v63  }
0x11d: {  	s23 =	sadd.s32 $0x380, s9;
	s24 =	simm.s32 $0x6280  }
0x11e: {  	[hbm4b:s23+s2] =	stream.linear.scatter [tilespmem:s24], [sflag:$0x1], $0x80, $0x38;
	[tilespmem:$0xC480] =	vst v63  }
0x11f: {  	s25 =	sadd.s32 $0x400, s9;
	s31 =	simm.s32 $0x6680  }
0x120: {  	[hbm4b:s25+s2] =	stream.linear.scatter [tilespmem:s31], [sflag:$0x1], $0x80, $0x38;
	[tilespmem:$0xC480] =	vst v63  }
0x121: {  	s23 =	sadd.s32 $0x480, s9;
	s24 =	simm.s32 $0x6A80  }
0x122: {  	[hbm4b:s23+s2] =	stream.linear.scatter [tilespmem:s24], [sflag:$0x1], $0x80, $0x38;
	[tilespmem:$0xC480] =	vst v63  }
0x123: {  	s25 =	sadd.s32 $0x500, s9;
	s31 =	simm.s32 $0x6E80  }
0x124: {  	[hbm4b:s25+s2] =	stream.linear.scatter [tilespmem:s31], [sflag:$0x1], $0x80, $0x38;
	[tilespmem:$0xC480] =	vst v63  }
0x125: {  	s23 =	sadd.s32 $0x580, s9;
	s24 =	simm.s32 $0x7280  }
0x126: {  	[hbm4b:s23+s2] =	stream.linear.scatter [tilespmem:s24], [sflag:$0x1], $0x80, $0x38;
	[tilespmem:$0xC480] =	vst v63  }
0x127: {  	s25 =	sadd.s32 $0x600, s9;
	s31 =	simm.s32 $0x7680  }
0x128: {  	[hbm4b:s25+s2] =	stream.linear.scatter [tilespmem:s31], [sflag:$0x1], $0x80, $0x38;
	[tilespmem:$0xC480] =	vst v63  }
0x129: {  	s23 =	sadd.s32 $0x680, s9;
	s24 =	simm.s32 $0x7A80  }
0x12a: {  	[hbm4b:s23+s2] =	stream.linear.scatter [tilespmem:s24], [sflag:$0x1], $0x80, $0x38;
	[tilespmem:$0xC480] =	vst v63  }
0x12b: {  	s25 =	sadd.s32 $0x700, s9;
	s31 =	simm.s32 $0x7E80  }
0x12c: {  	[hbm4b:s25+s2] =	stream.linear.scatter [tilespmem:s31], [sflag:$0x1], $0x80, $0x38;
	[tilespmem:$0xC480] =	vst v63  }
0x12d: {  	s1 =	sadd.s32 $0x780, s9;
	s23 =	simm.s32 $0x8280  }
0x12e: {  	[hbm4b:s1+s2] =	stream.linear.scatter [tilespmem:s23], [sflag:$0x1], $0x80, $0x38;
	[tilespmem:$0xC480] =	vst v63  }
0x12f: {  	_ =	swait.ge [sflag:s22], $0x800  }
0x130: {  	[sflag:s22] =	ssyncset.done $0x0  }
0x131: {  	s24 =	simm.s32 $0x4700;
	[sflag:s22] =	ssyncadd.s32 $0xFFFFF800  }
0x132: {  	[hbm4b:s10+s2] =	stream.linear.scatter [tilespmem:s24], [sflag:$0x1], $0x80, $0x38;
	[tilespmem:$0xC480] =	vst v63  }
0x133: {  	s25 =	sadd.s32 $0x80, s10;
	s31 =	simm.s32 $0x4B00  }
0x134: {  	[hbm4b:s25+s2] =	stream.linear.scatter [tilespmem:s31], [sflag:$0x1], $0x80, $0x38;
	[tilespmem:$0xC480] =	vst v63  }
0x135: {  	s23 =	sadd.s32 $0x100, s10;
	s24 =	simm.s32 $0x4F00  }
0x136: {  	[hbm4b:s23+s2] =	stream.linear.scatter [tilespmem:s24], [sflag:$0x1], $0x80, $0x38;
	[tilespmem:$0xC480] =	vst v63  }
0x137: {  	s25 =	sadd.s32 $0x180, s10;
	s31 =	simm.s32 $0x5300  }
0x138: {  	[hbm4b:s25+s2] =	stream.linear.scatter [tilespmem:s31], [sflag:$0x1], $0x80, $0x38;
	[tilespmem:$0xC480] =	vst v63  }
0x139: {  	s23 =	sadd.s32 $0x200, s10;
	s24 =	simm.s32 $0x5700  }
0x13a: {  	[hbm4b:s23+s2] =	stream.linear.scatter [tilespmem:s24], [sflag:$0x1], $0x80, $0x38;
	[tilespmem:$0xC480] =	vst v63  }
0x13b: {  	s25 =	sadd.s32 $0x280, s10;
	s31 =	simm.s32 $0x5B00  }
0x13c: {  	[hbm4b:s25+s2] =	stream.linear.scatter [tilespmem:s31], [sflag:$0x1], $0x80, $0x38;
	[tilespmem:$0xC480] =	vst v63  }
0x13d: {  	s23 =	sadd.s32 $0x300, s10;
	s24 =	simm.s32 $0x5F00  }
0x13e: {  	[hbm4b:s23+s2] =	stream.linear.scatter [tilespmem:s24], [sflag:$0x1], $0x80, $0x38;
	[tilespmem:$0xC480] =	vst v63  }
0x13f: {  	s25 =	sadd.s32 $0x380, s10;
	s31 =	simm.s32 $0x6300  }
0x140: {  	[hbm4b:s25+s2] =	stream.linear.scatter [tilespmem:s31], [sflag:$0x1], $0x80, $0x38;
	[tilespmem:$0xC480] =	vst v63  }
0x141: {  	s23 =	sadd.s32 $0x400, s10;
	s24 =	simm.s32 $0x6700  }
0x142: {  	[hbm4b:s23+s2] =	stream.linear.scatter [tilespmem:s24], [sflag:$0x1], $0x80, $0x38;
	[tilespmem:$0xC480] =	vst v63  }
0x143: {  	s25 =	sadd.s32 $0x480, s10;
	s31 =	simm.s32 $0x6B00  }
0x144: {  	[hbm4b:s25+s2] =	stream.linear.scatter [tilespmem:s31], [sflag:$0x1], $0x80, $0x38;
	[tilespmem:$0xC480] =	vst v63  }
0x145: {  	s23 =	sadd.s32 $0x500, s10;
	s24 =	simm.s32 $0x6F00  }
0x146: {  	[hbm4b:s23+s2] =	stream.linear.scatter [tilespmem:s24], [sflag:$0x1], $0x80, $0x38;
	[tilespmem:$0xC480] =	vst v63  }
0x147: {  	s25 =	sadd.s32 $0x580, s10;
	s31 =	simm.s32 $0x7300  }
0x148: {  	[hbm4b:s25+s2] =	stream.linear.scatter [tilespmem:s31], [sflag:$0x1], $0x80, $0x38;
	[tilespmem:$0xC480] =	vst v63  }
0x149: {  	s23 =	sadd.s32 $0x600, s10;
	s24 =	simm.s32 $0x7700  }
0x14a: {  	[hbm4b:s23+s2] =	stream.linear.scatter [tilespmem:s24], [sflag:$0x1], $0x80, $0x38;
	[tilespmem:$0xC480] =	vst v63  }
0x14b: {  	s25 =	sadd.s32 $0x680, s10;
	s31 =	simm.s32 $0x7B00  }
0x14c: {  	[hbm4b:s25+s2] =	stream.linear.scatter [tilespmem:s31], [sflag:$0x1], $0x80, $0x38;
	[tilespmem:$0xC480] =	vst v63  }
0x14d: {  	s23 =	sadd.s32 $0x700, s10;
	s24 =	simm.s32 $0x7F00  }
0x14e: {  	[hbm4b:s23+s2] =	stream.linear.scatter [tilespmem:s24], [sflag:$0x1], $0x80, $0x38;
	[tilespmem:$0xC480] =	vst v63  }
0x14f: {  	s25 =	sadd.s32 $0x780, s10;
	s31 =	simm.s32 $0x8300  }
0x150: {  	[hbm4b:s25+s2] =	stream.linear.scatter [tilespmem:s31], [sflag:$0x1], $0x80, $0x38;
	[tilespmem:$0xC480] =	vst v63  }
0x151: {  	_ =	swait.ge [sflag:s22], $0x800  }
0x152: {  	[sflag:s22] =	ssyncset.done $0x0  }
0x153: {  	s1 =	simm.s32 $0x4780;
	[sflag:s22] =	ssyncadd.s32 $0xFFFFF800  }
0x154: {  	[hbm4b:s11+s2] =	stream.linear.scatter [tilespmem:s1], [sflag:$0x1], $0x80, $0x38;
	[tilespmem:$0xC480] =	vst v63  }
0x155: {  	s23 =	sadd.s32 $0x80, s11;
	s24 =	simm.s32 $0x4B80  }
0x156: {  	[hbm4b:s23+s2] =	stream.linear.scatter [tilespmem:s24], [sflag:$0x1], $0x80, $0x38;
	[tilespmem:$0xC480] =	vst v63  }
0x157: {  	s25 =	sadd.s32 $0x100, s11;
	s31 =	simm.s32 $0x4F80  }
0x158: {  	[hbm4b:s25+s2] =	stream.linear.scatter [tilespmem:s31], [sflag:$0x1], $0x80, $0x38;
	[tilespmem:$0xC480] =	vst v63  }
0x159: {  	s23 =	sadd.s32 $0x180, s11;
	s24 =	simm.s32 $0x5380  }
0x15a: {  	[hbm4b:s23+s2] =	stream.linear.scatter [tilespmem:s24], [sflag:$0x1], $0x80, $0x38;
	[tilespmem:$0xC480] =	vst v63  }
0x15b: {  	s25 =	sadd.s32 $0x200, s11;
	s31 =	simm.s32 $0x5780  }
0x15c: {  	[hbm4b:s25+s2] =	stream.linear.scatter [tilespmem:s31], [sflag:$0x1], $0x80, $0x38;
	[tilespmem:$0xC480] =	vst v63  }
0x15d: {  	s23 =	sadd.s32 $0x280, s11;
	s24 =	simm.s32 $0x5B80  }
0x15e: {  	[hbm4b:s23+s2] =	stream.linear.scatter [tilespmem:s24], [sflag:$0x1], $0x80, $0x38;
	[tilespmem:$0xC480] =	vst v63  }
0x15f: {  	s25 =	sadd.s32 $0x300, s11;
	s31 =	simm.s32 $0x5F80  }
0x160: {  	[hbm4b:s25+s2] =	stream.linear.scatter [tilespmem:s31], [sflag:$0x1], $0x80, $0x38;
	[tilespmem:$0xC480] =	vst v63  }
0x161: {  	s23 =	sadd.s32 $0x380, s11;
	s24 =	simm.s32 $0x6380  }
0x162: {  	[hbm4b:s23+s2] =	stream.linear.scatter [tilespmem:s24], [sflag:$0x1], $0x80, $0x38;
	[tilespmem:$0xC480] =	vst v63  }
0x163: {  	s25 =	sadd.s32 $0x400, s11;
	s31 =	simm.s32 $0x6780  }
0x164: {  	[hbm4b:s25+s2] =	stream.linear.scatter [tilespmem:s31], [sflag:$0x1], $0x80, $0x38;
	[tilespmem:$0xC480] =	vst v63  }
0x165: {  	s23 =	sadd.s32 $0x480, s11;
	s24 =	simm.s32 $0x6B80  }
0x166: {  	[hbm4b:s23+s2] =	stream.linear.scatter [tilespmem:s24], [sflag:$0x1], $0x80, $0x38;
	[tilespmem:$0xC480] =	vst v63  }
0x167: {  	s25 =	sadd.s32 $0x500, s11;
	s31 =	simm.s32 $0x6F80  }
0x168: {  	[hbm4b:s25+s2] =	stream.linear.scatter [tilespmem:s31], [sflag:$0x1], $0x80, $0x38;
	[tilespmem:$0xC480] =	vst v63  }
0x169: {  	s23 =	sadd.s32 $0x580, s11;
	s24 =	simm.s32 $0x7380  }
0x16a: {  	[hbm4b:s23+s2] =	stream.linear.scatter [tilespmem:s24], [sflag:$0x1], $0x80, $0x38;
	[tilespmem:$0xC480] =	vst v63  }
0x16b: {  	s25 =	sadd.s32 $0x600, s11;
	s31 =	simm.s32 $0x7780  }
0x16c: {  	[hbm4b:s25+s2] =	stream.linear.scatter [tilespmem:s31], [sflag:$0x1], $0x80, $0x38;
	[tilespmem:$0xC480] =	vst v63  }
0x16d: {  	s23 =	sadd.s32 $0x680, s11;
	s24 =	simm.s32 $0x7B80  }
0x16e: {  	[hbm4b:s23+s2] =	stream.linear.scatter [tilespmem:s24], [sflag:$0x1], $0x80, $0x38;
	[tilespmem:$0xC480] =	vst v63  }
0x16f: {  	s25 =	sadd.s32 $0x700, s11;
	s31 =	simm.s32 $0x7F80  }
0x170: {  	[hbm4b:s25+s2] =	stream.linear.scatter [tilespmem:s31], [sflag:$0x1], $0x80, $0x38;
	[tilespmem:$0xC480] =	vst v63  }
0x171: {  	s1 =	sadd.s32 $0x780, s11;
	s23 =	simm.s32 $0x8380  }
0x172: {  	[hbm4b:s1+s2] =	stream.linear.scatter [tilespmem:s23], [sflag:$0x1], $0x80, $0x38;
	[tilespmem:$0xC480] =	vst v63  }
0x173: {  	_ =	swait.ge [sflag:s22], $0x800  }
0x174: {  	[sflag:s22] =	ssyncset.done $0x0  }
0x175: {  	s24 =	simm.s32 $0x4800;
	[sflag:s22] =	ssyncadd.s32 $0xFFFFF800  }
0x176: {  	[hbm4b:s12+s2] =	stream.linear.scatter [tilespmem:s24], [sflag:$0x1], $0x80, $0x38;
	[tilespmem:$0xC480] =	vst v63  }
0x177: {  	s25 =	sadd.s32 $0x80, s12;
	s31 =	simm.s32 $0x4C00  }
0x178: {  	[hbm4b:s25+s2] =	stream.linear.scatter [tilespmem:s31], [sflag:$0x1], $0x80, $0x38;
	[tilespmem:$0xC480] =	vst v63  }
0x179: {  	s23 =	sadd.s32 $0x100, s12;
	s24 =	simm.s32 $0x5000  }
0x17a: {  	[hbm4b:s23+s2] =	stream.linear.scatter [tilespmem:s24], [sflag:$0x1], $0x80, $0x38;
	[tilespmem:$0xC480] =	vst v63  }
0x17b: {  	s25 =	sadd.s32 $0x180, s12;
	s31 =	simm.s32 $0x5400  }
0x17c: {  	[hbm4b:s25+s2] =	stream.linear.scatter [tilespmem:s31], [sflag:$0x1], $0x80, $0x38;
	[tilespmem:$0xC480] =	vst v63  }
0x17d: {  	s23 =	sadd.s32 $0x200, s12;
	s24 =	simm.s32 $0x5800  }
0x17e: {  	[hbm4b:s23+s2] =	stream.linear.scatter [tilespmem:s24], [sflag:$0x1], $0x80, $0x38;
	[tilespmem:$0xC480] =	vst v63  }
0x17f: {  	s25 =	sadd.s32 $0x280, s12;
	s31 =	simm.s32 $0x5C00  }
0x180: {  	[hbm4b:s25+s2] =	stream.linear.scatter [tilespmem:s31], [sflag:$0x1], $0x80, $0x38;
	[tilespmem:$0xC480] =	vst v63  }
0x181: {  	s23 =	sadd.s32 $0x300, s12;
	s24 =	simm.s32 $0x6000  }
0x182: {  	[hbm4b:s23+s2] =	stream.linear.scatter [tilespmem:s24], [sflag:$0x1], $0x80, $0x38;
	[tilespmem:$0xC480] =	vst v63  }
0x183: {  	s25 =	sadd.s32 $0x380, s12;
	s31 =	simm.s32 $0x6400  }
0x184: {  	[hbm4b:s25+s2] =	stream.linear.scatter [tilespmem:s31], [sflag:$0x1], $0x80, $0x38;
	[tilespmem:$0xC480] =	vst v63  }
0x185: {  	s23 =	sadd.s32 $0x400, s12;
	s24 =	simm.s32 $0x6800  }
0x186: {  	[hbm4b:s23+s2] =	stream.linear.scatter [tilespmem:s24], [sflag:$0x1], $0x80, $0x38;
	[tilespmem:$0xC480] =	vst v63  }
0x187: {  	s25 =	sadd.s32 $0x480, s12;
	s31 =	simm.s32 $0x6C00  }
0x188: {  	[hbm4b:s25+s2] =	stream.linear.scatter [tilespmem:s31], [sflag:$0x1], $0x80, $0x38;
	[tilespmem:$0xC480] =	vst v63  }
0x189: {  	s23 =	sadd.s32 $0x500, s12;
	s24 =	simm.s32 $0x7000  }
0x18a: {  	[hbm4b:s23+s2] =	stream.linear.scatter [tilespmem:s24], [sflag:$0x1], $0x80, $0x38;
	[tilespmem:$0xC480] =	vst v63  }
0x18b: {  	s25 =	sadd.s32 $0x580, s12;
	s31 =	simm.s32 $0x7400  }
0x18c: {  	[hbm4b:s25+s2] =	stream.linear.scatter [tilespmem:s31], [sflag:$0x1], $0x80, $0x38;
	[tilespmem:$0xC480] =	vst v63  }
0x18d: {  	s23 =	sadd.s32 $0x600, s12;
	s24 =	simm.s32 $0x7800  }
0x18e: {  	[hbm4b:s23+s2] =	stream.linear.scatter [tilespmem:s24], [sflag:$0x1], $0x80, $0x38;
	[tilespmem:$0xC480] =	vst v63  }
0x18f: {  	s25 =	sadd.s32 $0x680, s12;
	s31 =	simm.s32 $0x7C00  }
0x190: {  	[hbm4b:s25+s2] =	stream.linear.scatter [tilespmem:s31], [sflag:$0x1], $0x80, $0x38;
	[tilespmem:$0xC480] =	vst v63  }
0x191: {  	s23 =	sadd.s32 $0x700, s12;
	s24 =	simm.s32 $0x8000  }
0x192: {  	[hbm4b:s23+s2] =	stream.linear.scatter [tilespmem:s24], [sflag:$0x1], $0x80, $0x38;
	[tilespmem:$0xC480] =	vst v63  }
0x193: {  	s25 =	sadd.s32 $0x780, s12;
	s31 =	simm.s32 $0x8400  }
0x194: {  	[hbm4b:s25+s2] =	stream.linear.scatter [tilespmem:s31], [sflag:$0x1], $0x80, $0x38;
	[tilespmem:$0xC480] =	vst v63  }
0x195: {  	_ =	swait.ge [sflag:s22], $0x800  }
0x196: {  	[sflag:s22] =	ssyncset.done $0x0  }
0x197: {  	s1 =	simm.s32 $0x8480;
	[sflag:s22] =	ssyncadd.s32 $0xFFFFF800  }
0x198: {  	[hbm4b:s13+s2] =	stream.linear.scatter [tilespmem:s1], [sflag:$0x1], $0x80, $0x38;
	[tilespmem:$0xC480] =	vst v63  }
0x199: {  	s23 =	sadd.s32 $0x80, s13;
	s24 =	simm.s32 $0x8880  }
0x19a: {  	[hbm4b:s23+s2] =	stream.linear.scatter [tilespmem:s24], [sflag:$0x1], $0x80, $0x38;
	[tilespmem:$0xC480] =	vst v63  }
0x19b: {  	s25 =	sadd.s32 $0x100, s13;
	s31 =	simm.s32 $0x8C80  }
0x19c: {  	[hbm4b:s25+s2] =	stream.linear.scatter [tilespmem:s31], [sflag:$0x1], $0x80, $0x38;
	[tilespmem:$0xC480] =	vst v63  }
0x19d: {  	s23 =	sadd.s32 $0x180, s13;
	s24 =	simm.s32 $0x9080  }
0x19e: {  	[hbm4b:s23+s2] =	stream.linear.scatter [tilespmem:s24], [sflag:$0x1], $0x80, $0x38;
	[tilespmem:$0xC480] =	vst v63  }
0x19f: {  	s25 =	sadd.s32 $0x200, s13;
	s31 =	simm.s32 $0x9480  }
0x1a0: {  	[hbm4b:s25+s2] =	stream.linear.scatter [tilespmem:s31], [sflag:$0x1], $0x80, $0x38;
	[tilespmem:$0xC480] =	vst v63  }
0x1a1: {  	s23 =	sadd.s32 $0x280, s13;
	s24 =	simm.s32 $0x9880  }
0x1a2: {  	[hbm4b:s23+s2] =	stream.linear.scatter [tilespmem:s24], [sflag:$0x1], $0x80, $0x38;
	[tilespmem:$0xC480] =	vst v63  }
0x1a3: {  	s25 =	sadd.s32 $0x300, s13;
	s31 =	simm.s32 $0x9C80  }
0x1a4: {  	[hbm4b:s25+s2] =	stream.linear.scatter [tilespmem:s31], [sflag:$0x1], $0x80, $0x38;
	[tilespmem:$0xC480] =	vst v63  }
0x1a5: {  	s23 =	sadd.s32 $0x380, s13;
	s24 =	simm.s32 $0xA080  }
0x1a6: {  	[hbm4b:s23+s2] =	stream.linear.scatter [tilespmem:s24], [sflag:$0x1], $0x80, $0x38;
	[tilespmem:$0xC480] =	vst v63  }
0x1a7: {  	s25 =	sadd.s32 $0x400, s13;
	s31 =	simm.s32 $0xA480  }
0x1a8: {  	[hbm4b:s25+s2] =	stream.linear.scatter [tilespmem:s31], [sflag:$0x1], $0x80, $0x38;
	[tilespmem:$0xC480] =	vst v63  }
0x1a9: {  	s23 =	sadd.s32 $0x480, s13;
	s24 =	simm.s32 $0xA880  }
0x1aa: {  	[hbm4b:s23+s2] =	stream.linear.scatter [tilespmem:s24], [sflag:$0x1], $0x80, $0x38;
	[tilespmem:$0xC480] =	vst v63  }
0x1ab: {  	s25 =	sadd.s32 $0x500, s13;
	s31 =	simm.s32 $0xAC80  }
0x1ac: {  	[hbm4b:s25+s2] =	stream.linear.scatter [tilespmem:s31], [sflag:$0x1], $0x80, $0x38;
	[tilespmem:$0xC480] =	vst v63  }
0x1ad: {  	s23 =	sadd.s32 $0x580, s13;
	s24 =	simm.s32 $0xB080  }
0x1ae: {  	[hbm4b:s23+s2] =	stream.linear.scatter [tilespmem:s24], [sflag:$0x1], $0x80, $0x38;
	[tilespmem:$0xC480] =	vst v63  }
0x1af: {  	s25 =	sadd.s32 $0x600, s13;
	s31 =	simm.s32 $0xB480  }
0x1b0: {  	[hbm4b:s25+s2] =	stream.linear.scatter [tilespmem:s31], [sflag:$0x1], $0x80, $0x38;
	[tilespmem:$0xC480] =	vst v63  }
0x1b1: {  	s23 =	sadd.s32 $0x680, s13;
	s24 =	simm.s32 $0xB880  }
0x1b2: {  	[hbm4b:s23+s2] =	stream.linear.scatter [tilespmem:s24], [sflag:$0x1], $0x80, $0x38;
	[tilespmem:$0xC480] =	vst v63  }
0x1b3: {  	s25 =	sadd.s32 $0x700, s13;
	s31 =	simm.s32 $0xBC80  }
0x1b4: {  	[hbm4b:s25+s2] =	stream.linear.scatter [tilespmem:s31], [sflag:$0x1], $0x80, $0x38;
	[tilespmem:$0xC480] =	vst v63  }
0x1b5: {  	s1 =	sadd.s32 $0x780, s13;
	s23 =	simm.s32 $0xC080  }
0x1b6: {  	[hbm4b:s1+s2] =	stream.linear.scatter [tilespmem:s23], [sflag:$0x1], $0x80, $0x38;
	[tilespmem:$0xC480] =	vst v63  }
0x1b7: {  	_ =	swait.ge [sflag:s22], $0x800  }
0x1b8: {  	[sflag:s22] =	ssyncset.done $0x0  }
0x1b9: {  	s24 =	simm.s32 $0x8500;
	[sflag:s22] =	ssyncadd.s32 $0xFFFFF800  }
0x1ba: {  	[hbm4b:s14+s2] =	stream.linear.scatter [tilespmem:s24], [sflag:$0x1], $0x80, $0x38;
	[tilespmem:$0xC480] =	vst v63  }
0x1bb: {  	s25 =	sadd.s32 $0x80, s14;
	s31 =	simm.s32 $0x8900  }
0x1bc: {  	[hbm4b:s25+s2] =	stream.linear.scatter [tilespmem:s31], [sflag:$0x1], $0x80, $0x38;
	[tilespmem:$0xC480] =	vst v63  }
0x1bd: {  	s23 =	sadd.s32 $0x100, s14;
	s24 =	simm.s32 $0x8D00  }
0x1be: {  	[hbm4b:s23+s2] =	stream.linear.scatter [tilespmem:s24], [sflag:$0x1], $0x80, $0x38;
	[tilespmem:$0xC480] =	vst v63  }
0x1bf: {  	s25 =	sadd.s32 $0x180, s14;
	s31 =	simm.s32 $0x9100  }
0x1c0: {  	[hbm4b:s25+s2] =	stream.linear.scatter [tilespmem:s31], [sflag:$0x1], $0x80, $0x38;
	[tilespmem:$0xC480] =	vst v63  }
0x1c1: {  	s23 =	sadd.s32 $0x200, s14;
	s24 =	simm.s32 $0x9500  }
0x1c2: {  	[hbm4b:s23+s2] =	stream.linear.scatter [tilespmem:s24], [sflag:$0x1], $0x80, $0x38;
	[tilespmem:$0xC480] =	vst v63  }
0x1c3: {  	s25 =	sadd.s32 $0x280, s14;
	s31 =	simm.s32 $0x9900  }
0x1c4: {  	[hbm4b:s25+s2] =	stream.linear.scatter [tilespmem:s31], [sflag:$0x1], $0x80, $0x38;
	[tilespmem:$0xC480] =	vst v63  }
0x1c5: {  	s23 =	sadd.s32 $0x300, s14;
	s24 =	simm.s32 $0x9D00  }
0x1c6: {  	[hbm4b:s23+s2] =	stream.linear.scatter [tilespmem:s24], [sflag:$0x1], $0x80, $0x38;
	[tilespmem:$0xC480] =	vst v63  }
0x1c7: {  	s25 =	sadd.s32 $0x380, s14;
	s31 =	simm.s32 $0xA100  }
0x1c8: {  	[hbm4b:s25+s2] =	stream.linear.scatter [tilespmem:s31], [sflag:$0x1], $0x80, $0x38;
	[tilespmem:$0xC480] =	vst v63  }
0x1c9: {  	s23 =	sadd.s32 $0x400, s14;
	s24 =	simm.s32 $0xA500  }
0x1ca: {  	[hbm4b:s23+s2] =	stream.linear.scatter [tilespmem:s24], [sflag:$0x1], $0x80, $0x38;
	[tilespmem:$0xC480] =	vst v63  }
0x1cb: {  	s25 =	sadd.s32 $0x480, s14;
	s31 =	simm.s32 $0xA900  }
0x1cc: {  	[hbm4b:s25+s2] =	stream.linear.scatter [tilespmem:s31], [sflag:$0x1], $0x80, $0x38;
	[tilespmem:$0xC480] =	vst v63  }
0x1cd: {  	s23 =	sadd.s32 $0x500, s14;
	s24 =	simm.s32 $0xAD00  }
0x1ce: {  	[hbm4b:s23+s2] =	stream.linear.scatter [tilespmem:s24], [sflag:$0x1], $0x80, $0x38;
	[tilespmem:$0xC480] =	vst v63  }
0x1cf: {  	s25 =	sadd.s32 $0x580, s14;
	s31 =	simm.s32 $0xB100  }
0x1d0: {  	[hbm4b:s25+s2] =	stream.linear.scatter [tilespmem:s31], [sflag:$0x1], $0x80, $0x38;
	[tilespmem:$0xC480] =	vst v63  }
0x1d1: {  	s23 =	sadd.s32 $0x600, s14;
	s24 =	simm.s32 $0xB500  }
0x1d2: {  	[hbm4b:s23+s2] =	stream.linear.scatter [tilespmem:s24], [sflag:$0x1], $0x80, $0x38;
	[tilespmem:$0xC480] =	vst v63  }
0x1d3: {  	s25 =	sadd.s32 $0x680, s14;
	s31 =	simm.s32 $0xB900  }
0x1d4: {  	[hbm4b:s25+s2] =	stream.linear.scatter [tilespmem:s31], [sflag:$0x1], $0x80, $0x38;
	[tilespmem:$0xC480] =	vst v63  }
0x1d5: {  	s23 =	sadd.s32 $0x700, s14;
	s24 =	simm.s32 $0xBD00  }
0x1d6: {  	[hbm4b:s23+s2] =	stream.linear.scatter [tilespmem:s24], [sflag:$0x1], $0x80, $0x38;
	[tilespmem:$0xC480] =	vst v63  }
0x1d7: {  	s25 =	sadd.s32 $0x780, s14;
	s31 =	simm.s32 $0xC100  }
0x1d8: {  	[hbm4b:s25+s2] =	stream.linear.scatter [tilespmem:s31], [sflag:$0x1], $0x80, $0x38;
	[tilespmem:$0xC480] =	vst v63  }
0x1d9: {  	_ =	swait.ge [sflag:s22], $0x800  }
0x1da: {  	[sflag:s22] =	ssyncset.done $0x0  }
0x1db: {  	s1 =	simm.s32 $0x8580;
	[sflag:s22] =	ssyncadd.s32 $0xFFFFF800  }
0x1dc: {  	[hbm4b:s15+s2] =	stream.linear.scatter [tilespmem:s1], [sflag:$0x1], $0x80, $0x38;
	[tilespmem:$0xC480] =	vst v63  }
0x1dd: {  	s23 =	sadd.s32 $0x80, s15;
	s24 =	simm.s32 $0x8980  }
0x1de: {  	[hbm4b:s23+s2] =	stream.linear.scatter [tilespmem:s24], [sflag:$0x1], $0x80, $0x38;
	[tilespmem:$0xC480] =	vst v63  }
0x1df: {  	s25 =	sadd.s32 $0x100, s15;
	s31 =	simm.s32 $0x8D80  }
0x1e0: {  	[hbm4b:s25+s2] =	stream.linear.scatter [tilespmem:s31], [sflag:$0x1], $0x80, $0x38;
	[tilespmem:$0xC480] =	vst v63  }
0x1e1: {  	s23 =	sadd.s32 $0x180, s15;
	s24 =	simm.s32 $0x9180  }
0x1e2: {  	[hbm4b:s23+s2] =	stream.linear.scatter [tilespmem:s24], [sflag:$0x1], $0x80, $0x38;
	[tilespmem:$0xC480] =	vst v63  }
0x1e3: {  	s25 =	sadd.s32 $0x200, s15;
	s31 =	simm.s32 $0x9580  }
0x1e4: {  	[hbm4b:s25+s2] =	stream.linear.scatter [tilespmem:s31], [sflag:$0x1], $0x80, $0x38;
	[tilespmem:$0xC480] =	vst v63  }
0x1e5: {  	s23 =	sadd.s32 $0x280, s15;
	s24 =	simm.s32 $0x9980  }
0x1e6: {  	[hbm4b:s23+s2] =	stream.linear.scatter [tilespmem:s24], [sflag:$0x1], $0x80, $0x38;
	[tilespmem:$0xC480] =	vst v63  }
0x1e7: {  	s25 =	sadd.s32 $0x300, s15;
	s31 =	simm.s32 $0x9D80  }
0x1e8: {  	[hbm4b:s25+s2] =	stream.linear.scatter [tilespmem:s31], [sflag:$0x1], $0x80, $0x38;
	[tilespmem:$0xC480] =	vst v63  }
0x1e9: {  	s23 =	sadd.s32 $0x380, s15;
	s24 =	simm.s32 $0xA180  }
0x1ea: {  	[hbm4b:s23+s2] =	stream.linear.scatter [tilespmem:s24], [sflag:$0x1], $0x80, $0x38;
	[tilespmem:$0xC480] =	vst v63  }
0x1eb: {  	s25 =	sadd.s32 $0x400, s15;
	s31 =	simm.s32 $0xA580  }
0x1ec: {  	[hbm4b:s25+s2] =	stream.linear.scatter [tilespmem:s31], [sflag:$0x1], $0x80, $0x38;
	[tilespmem:$0xC480] =	vst v63  }
0x1ed: {  	s23 =	sadd.s32 $0x480, s15;
	s24 =	simm.s32 $0xA980  }
0x1ee: {  	[hbm4b:s23+s2] =	stream.linear.scatter [tilespmem:s24], [sflag:$0x1], $0x80, $0x38;
	[tilespmem:$0xC480] =	vst v63  }
0x1ef: {  	s25 =	sadd.s32 $0x500, s15;
	s31 =	simm.s32 $0xAD80  }
0x1f0: {  	[hbm4b:s25+s2] =	stream.linear.scatter [tilespmem:s31], [sflag:$0x1], $0x80, $0x38;
	[tilespmem:$0xC480] =	vst v63  }
0x1f1: {  	s23 =	sadd.s32 $0x580, s15;
	s24 =	simm.s32 $0xB180  }
0x1f2: {  	[hbm4b:s23+s2] =	stream.linear.scatter [tilespmem:s24], [sflag:$0x1], $0x80, $0x38;
	[tilespmem:$0xC480] =	vst v63  }
0x1f3: {  	s25 =	sadd.s32 $0x600, s15;
	s31 =	simm.s32 $0xB580  }
0x1f4: {  	[hbm4b:s25+s2] =	stream.linear.scatter [tilespmem:s31], [sflag:$0x1], $0x80, $0x38;
	[tilespmem:$0xC480] =	vst v63  }
0x1f5: {  	s23 =	sadd.s32 $0x680, s15;
	s24 =	simm.s32 $0xB980  }
0x1f6: {  	[hbm4b:s23+s2] =	stream.linear.scatter [tilespmem:s24], [sflag:$0x1], $0x80, $0x38;
	[tilespmem:$0xC480] =	vst v63  }
0x1f7: {  	s25 =	sadd.s32 $0x700, s15;
	s31 =	simm.s32 $0xBD80  }
0x1f8: {  	[hbm4b:s25+s2] =	stream.linear.scatter [tilespmem:s31], [sflag:$0x1], $0x80, $0x38;
	[tilespmem:$0xC480] =	vst v63  }
0x1f9: {  	s1 =	sadd.s32 $0x780, s15;
	s23 =	simm.s32 $0xC180  }
0x1fa: {  	[hbm4b:s1+s2] =	stream.linear.scatter [tilespmem:s23], [sflag:$0x1], $0x80, $0x38;
	[tilespmem:$0xC480] =	vst v63  }
0x1fb: {  	_ =	swait.ge [sflag:s22], $0x800  }
0x1fc: {  	[sflag:s22] =	ssyncset.done $0x0  }
0x1fd: {  	s24 =	simm.s32 $0x8600;
	[sflag:s22] =	ssyncadd.s32 $0xFFFFF800  }
0x1fe: {  	[hbm4b:s16+s2] =	stream.linear.scatter [tilespmem:s24], [sflag:$0x1], $0x80, $0x38;
	[tilespmem:$0xC480] =	vst v63  }
0x1ff: {  	s25 =	sadd.s32 $0x80, s16;
	s31 =	simm.s32 $0x8A00  }
0x200: {  	[hbm4b:s25+s2] =	stream.linear.scatter [tilespmem:s31], [sflag:$0x1], $0x80, $0x38;
	[tilespmem:$0xC480] =	vst v63  }
0x201: {  	s23 =	sadd.s32 $0x100, s16;
	s24 =	simm.s32 $0x8E00  }
0x202: {  	[hbm4b:s23+s2] =	stream.linear.scatter [tilespmem:s24], [sflag:$0x1], $0x80, $0x38;
	[tilespmem:$0xC480] =	vst v63  }
0x203: {  	s25 =	sadd.s32 $0x180, s16;
	s31 =	simm.s32 $0x9200  }
0x204: {  	[hbm4b:s25+s2] =	stream.linear.scatter [tilespmem:s31], [sflag:$0x1], $0x80, $0x38;
	[tilespmem:$0xC480] =	vst v63  }
0x205: {  	s23 =	sadd.s32 $0x200, s16;
	s24 =	simm.s32 $0x9600  }
0x206: {  	[hbm4b:s23+s2] =	stream.linear.scatter [tilespmem:s24], [sflag:$0x1], $0x80, $0x38;
	[tilespmem:$0xC480] =	vst v63  }
0x207: {  	s25 =	sadd.s32 $0x280, s16;
	s31 =	simm.s32 $0x9A00  }
0x208: {  	[hbm4b:s25+s2] =	stream.linear.scatter [tilespmem:s31], [sflag:$0x1], $0x80, $0x38;
	[tilespmem:$0xC480] =	vst v63  }
0x209: {  	s23 =	sadd.s32 $0x300, s16;
	s24 =	simm.s32 $0x9E00  }
0x20a: {  	[hbm4b:s23+s2] =	stream.linear.scatter [tilespmem:s24], [sflag:$0x1], $0x80, $0x38;
	[tilespmem:$0xC480] =	vst v63  }
0x20b: {  	s25 =	sadd.s32 $0x380, s16;
	s31 =	simm.s32 $0xA200  }
0x20c: {  	[hbm4b:s25+s2] =	stream.linear.scatter [tilespmem:s31], [sflag:$0x1], $0x80, $0x38;
	[tilespmem:$0xC480] =	vst v63  }
0x20d: {  	s23 =	sadd.s32 $0x400, s16;
	s24 =	simm.s32 $0xA600  }
0x20e: {  	[hbm4b:s23+s2] =	stream.linear.scatter [tilespmem:s24], [sflag:$0x1], $0x80, $0x38;
	[tilespmem:$0xC480] =	vst v63  }
0x20f: {  	s25 =	sadd.s32 $0x480, s16;
	s31 =	simm.s32 $0xAA00  }
0x210: {  	[hbm4b:s25+s2] =	stream.linear.scatter [tilespmem:s31], [sflag:$0x1], $0x80, $0x38;
	[tilespmem:$0xC480] =	vst v63  }
0x211: {  	s23 =	sadd.s32 $0x500, s16;
	s24 =	simm.s32 $0xAE00  }
0x212: {  	[hbm4b:s23+s2] =	stream.linear.scatter [tilespmem:s24], [sflag:$0x1], $0x80, $0x38;
	[tilespmem:$0xC480] =	vst v63  }
0x213: {  	s25 =	sadd.s32 $0x580, s16;
	s31 =	simm.s32 $0xB200  }
0x214: {  	[hbm4b:s25+s2] =	stream.linear.scatter [tilespmem:s31], [sflag:$0x1], $0x80, $0x38;
	[tilespmem:$0xC480] =	vst v63  }
0x215: {  	s23 =	sadd.s32 $0x600, s16;
	s24 =	simm.s32 $0xB600  }
0x216: {  	[hbm4b:s23+s2] =	stream.linear.scatter [tilespmem:s24], [sflag:$0x1], $0x80, $0x38;
	[tilespmem:$0xC480] =	vst v63  }
0x217: {  	s25 =	sadd.s32 $0x680, s16;
	s31 =	simm.s32 $0xBA00  }
0x218: {  	[hbm4b:s25+s2] =	stream.linear.scatter [tilespmem:s31], [sflag:$0x1], $0x80, $0x38;
	[tilespmem:$0xC480] =	vst v63  }
0x219: {  	s23 =	sadd.s32 $0x700, s16;
	s24 =	simm.s32 $0xBE00  }
0x21a: {  	[hbm4b:s23+s2] =	stream.linear.scatter [tilespmem:s24], [sflag:$0x1], $0x80, $0x38;
	[tilespmem:$0xC480] =	vst v63  }
0x21b: {  	s25 =	sadd.s32 $0x780, s16;
	s31 =	simm.s32 $0xC200  }
0x21c: {  	[hbm4b:s25+s2] =	stream.linear.scatter [tilespmem:s31], [sflag:$0x1], $0x80, $0x38;
	[tilespmem:$0xC480] =	vst v63  }
0x21d: {  	_ =	swait.ge [sflag:s22], $0x800  }
0x21e: {  	[sflag:s22] =	ssyncset.done $0x0  }
0x21f: {  	s1 =	simm.s32 $0x8680;
	[sflag:s22] =	ssyncadd.s32 $0xFFFFF800  }
0x220: {  	[hbm4b:s17+s2] =	stream.linear.scatter [tilespmem:s1], [sflag:$0x1], $0x80, $0x38;
	[tilespmem:$0xC480] =	vst v63  }
0x221: {  	s23 =	sadd.s32 $0x80, s17;
	s24 =	simm.s32 $0x8A80  }
0x222: {  	[hbm4b:s23+s2] =	stream.linear.scatter [tilespmem:s24], [sflag:$0x1], $0x80, $0x38;
	[tilespmem:$0xC480] =	vst v63  }
0x223: {  	s25 =	sadd.s32 $0x100, s17;
	s31 =	simm.s32 $0x8E80  }
0x224: {  	[hbm4b:s25+s2] =	stream.linear.scatter [tilespmem:s31], [sflag:$0x1], $0x80, $0x38;
	[tilespmem:$0xC480] =	vst v63  }
0x225: {  	s23 =	sadd.s32 $0x180, s17;
	s24 =	simm.s32 $0x9280  }
0x226: {  	[hbm4b:s23+s2] =	stream.linear.scatter [tilespmem:s24], [sflag:$0x1], $0x80, $0x38;
	[tilespmem:$0xC480] =	vst v63  }
0x227: {  	s25 =	sadd.s32 $0x200, s17;
	s31 =	simm.s32 $0x9680  }
0x228: {  	[hbm4b:s25+s2] =	stream.linear.scatter [tilespmem:s31], [sflag:$0x1], $0x80, $0x38;
	[tilespmem:$0xC480] =	vst v63  }
0x229: {  	s23 =	sadd.s32 $0x280, s17;
	s24 =	simm.s32 $0x9A80  }
0x22a: {  	[hbm4b:s23+s2] =	stream.linear.scatter [tilespmem:s24], [sflag:$0x1], $0x80, $0x38;
	[tilespmem:$0xC480] =	vst v63  }
0x22b: {  	s25 =	sadd.s32 $0x300, s17;
	s31 =	simm.s32 $0x9E80  }
0x22c: {  	[hbm4b:s25+s2] =	stream.linear.scatter [tilespmem:s31], [sflag:$0x1], $0x80, $0x38;
	[tilespmem:$0xC480] =	vst v63  }
0x22d: {  	s23 =	sadd.s32 $0x380, s17;
	s24 =	simm.s32 $0xA280  }
0x22e: {  	[hbm4b:s23+s2] =	stream.linear.scatter [tilespmem:s24], [sflag:$0x1], $0x80, $0x38;
	[tilespmem:$0xC480] =	vst v63  }
0x22f: {  	s25 =	sadd.s32 $0x400, s17;
	s31 =	simm.s32 $0xA680  }
0x230: {  	[hbm4b:s25+s2] =	stream.linear.scatter [tilespmem:s31], [sflag:$0x1], $0x80, $0x38;
	[tilespmem:$0xC480] =	vst v63  }
0x231: {  	s23 =	sadd.s32 $0x480, s17;
	s24 =	simm.s32 $0xAA80  }
0x232: {  	[hbm4b:s23+s2] =	stream.linear.scatter [tilespmem:s24], [sflag:$0x1], $0x80, $0x38;
	[tilespmem:$0xC480] =	vst v63  }
0x233: {  	s25 =	sadd.s32 $0x500, s17;
	s31 =	simm.s32 $0xAE80  }
0x234: {  	[hbm4b:s25+s2] =	stream.linear.scatter [tilespmem:s31], [sflag:$0x1], $0x80, $0x38;
	[tilespmem:$0xC480] =	vst v63  }
0x235: {  	s23 =	sadd.s32 $0x580, s17;
	s24 =	simm.s32 $0xB280  }
0x236: {  	[hbm4b:s23+s2] =	stream.linear.scatter [tilespmem:s24], [sflag:$0x1], $0x80, $0x38;
	[tilespmem:$0xC480] =	vst v63  }
0x237: {  	s25 =	sadd.s32 $0x600, s17;
	s31 =	simm.s32 $0xB680  }
0x238: {  	[hbm4b:s25+s2] =	stream.linear.scatter [tilespmem:s31], [sflag:$0x1], $0x80, $0x38;
	[tilespmem:$0xC480] =	vst v63  }
0x239: {  	s23 =	sadd.s32 $0x680, s17;
	s24 =	simm.s32 $0xBA80  }
0x23a: {  	[hbm4b:s23+s2] =	stream.linear.scatter [tilespmem:s24], [sflag:$0x1], $0x80, $0x38;
	[tilespmem:$0xC480] =	vst v63  }
0x23b: {  	s25 =	sadd.s32 $0x700, s17;
	s31 =	simm.s32 $0xBE80  }
0x23c: {  	[hbm4b:s25+s2] =	stream.linear.scatter [tilespmem:s31], [sflag:$0x1], $0x80, $0x38;
	[tilespmem:$0xC480] =	vst v63  }
0x23d: {  	s1 =	sadd.s32 $0x780, s17;
	s23 =	simm.s32 $0xC280  }
0x23e: {  	[hbm4b:s1+s2] =	stream.linear.scatter [tilespmem:s23], [sflag:$0x1], $0x80, $0x38;
	[tilespmem:$0xC480] =	vst v63  }
0x23f: {  	_ =	swait.ge [sflag:s22], $0x800  }
0x240: {  	[sflag:s22] =	ssyncset.done $0x0  }
0x241: {  	s24 =	simm.s32 $0x8700;
	[sflag:s22] =	ssyncadd.s32 $0xFFFFF800  }
0x242: {  	[hbm4b:s18+s2] =	stream.linear.scatter [tilespmem:s24], [sflag:$0x1], $0x80, $0x38;
	[tilespmem:$0xC480] =	vst v63  }
0x243: {  	s25 =	sadd.s32 $0x80, s18;
	s31 =	simm.s32 $0x8B00  }
0x244: {  	[hbm4b:s25+s2] =	stream.linear.scatter [tilespmem:s31], [sflag:$0x1], $0x80, $0x38;
	[tilespmem:$0xC480] =	vst v63  }
0x245: {  	s23 =	sadd.s32 $0x100, s18;
	s24 =	simm.s32 $0x8F00  }
0x246: {  	[hbm4b:s23+s2] =	stream.linear.scatter [tilespmem:s24], [sflag:$0x1], $0x80, $0x38;
	[tilespmem:$0xC480] =	vst v63  }
0x247: {  	s25 =	sadd.s32 $0x180, s18;
	s31 =	simm.s32 $0x9300  }
0x248: {  	[hbm4b:s25+s2] =	stream.linear.scatter [tilespmem:s31], [sflag:$0x1], $0x80, $0x38;
	[tilespmem:$0xC480] =	vst v63  }
0x249: {  	s23 =	sadd.s32 $0x200, s18;
	s24 =	simm.s32 $0x9700  }
0x24a: {  	[hbm4b:s23+s2] =	stream.linear.scatter [tilespmem:s24], [sflag:$0x1], $0x80, $0x38;
	[tilespmem:$0xC480] =	vst v63  }
0x24b: {  	s25 =	sadd.s32 $0x280, s18;
	s31 =	simm.s32 $0x9B00  }
0x24c: {  	[hbm4b:s25+s2] =	stream.linear.scatter [tilespmem:s31], [sflag:$0x1], $0x80, $0x38;
	[tilespmem:$0xC480] =	vst v63  }
0x24d: {  	s23 =	sadd.s32 $0x300, s18;
	s24 =	simm.s32 $0x9F00  }
0x24e: {  	[hbm4b:s23+s2] =	stream.linear.scatter [tilespmem:s24], [sflag:$0x1], $0x80, $0x38;
	[tilespmem:$0xC480] =	vst v63  }
0x24f: {  	s25 =	sadd.s32 $0x380, s18;
	s31 =	simm.s32 $0xA300  }
0x250: {  	[hbm4b:s25+s2] =	stream.linear.scatter [tilespmem:s31], [sflag:$0x1], $0x80, $0x38;
	[tilespmem:$0xC480] =	vst v63  }
0x251: {  	s23 =	sadd.s32 $0x400, s18;
	s24 =	simm.s32 $0xA700  }
0x252: {  	[hbm4b:s23+s2] =	stream.linear.scatter [tilespmem:s24], [sflag:$0x1], $0x80, $0x38;
	[tilespmem:$0xC480] =	vst v63  }
0x253: {  	s25 =	sadd.s32 $0x480, s18;
	s31 =	simm.s32 $0xAB00  }
0x254: {  	[hbm4b:s25+s2] =	stream.linear.scatter [tilespmem:s31], [sflag:$0x1], $0x80, $0x38;
	[tilespmem:$0xC480] =	vst v63  }
0x255: {  	s23 =	sadd.s32 $0x500, s18;
	s24 =	simm.s32 $0xAF00  }
0x256: {  	[hbm4b:s23+s2] =	stream.linear.scatter [tilespmem:s24], [sflag:$0x1], $0x80, $0x38;
	[tilespmem:$0xC480] =	vst v63  }
0x257: {  	s25 =	sadd.s32 $0x580, s18;
	s31 =	simm.s32 $0xB300  }
0x258: {  	[hbm4b:s25+s2] =	stream.linear.scatter [tilespmem:s31], [sflag:$0x1], $0x80, $0x38;
	[tilespmem:$0xC480] =	vst v63  }
0x259: {  	s23 =	sadd.s32 $0x600, s18;
	s24 =	simm.s32 $0xB700  }
0x25a: {  	[hbm4b:s23+s2] =	stream.linear.scatter [tilespmem:s24], [sflag:$0x1], $0x80, $0x38;
	[tilespmem:$0xC480] =	vst v63  }
0x25b: {  	s25 =	sadd.s32 $0x680, s18;
	s31 =	simm.s32 $0xBB00  }
0x25c: {  	[hbm4b:s25+s2] =	stream.linear.scatter [tilespmem:s31], [sflag:$0x1], $0x80, $0x38;
	[tilespmem:$0xC480] =	vst v63  }
0x25d: {  	s23 =	sadd.s32 $0x700, s18;
	s24 =	simm.s32 $0xBF00  }
0x25e: {  	[hbm4b:s23+s2] =	stream.linear.scatter [tilespmem:s24], [sflag:$0x1], $0x80, $0x38;
	[tilespmem:$0xC480] =	vst v63  }
0x25f: {  	s25 =	sadd.s32 $0x780, s18;
	s31 =	simm.s32 $0xC300  }
0x260: {  	[hbm4b:s25+s2] =	stream.linear.scatter [tilespmem:s31], [sflag:$0x1], $0x80, $0x38;
	[tilespmem:$0xC480] =	vst v63  }
0x261: {  	_ =	swait.ge [sflag:s22], $0x800  }
0x262: {  	[sflag:s22] =	ssyncset.done $0x0  }
0x263: {  	s1 =	simm.s32 $0x8780;
	[sflag:s22] =	ssyncadd.s32 $0xFFFFF800  }
0x264: {  	[hbm4b:s19+s2] =	stream.linear.scatter [tilespmem:s1], [sflag:$0x1], $0x80, $0x38;
	[tilespmem:$0xC480] =	vst v63  }
0x265: {  	s23 =	sadd.s32 $0x80, s19;
	s24 =	simm.s32 $0x8B80  }
0x266: {  	[hbm4b:s23+s2] =	stream.linear.scatter [tilespmem:s24], [sflag:$0x1], $0x80, $0x38;
	[tilespmem:$0xC480] =	vst v63  }
0x267: {  	s25 =	sadd.s32 $0x100, s19;
	s31 =	simm.s32 $0x8F80  }
0x268: {  	[hbm4b:s25+s2] =	stream.linear.scatter [tilespmem:s31], [sflag:$0x1], $0x80, $0x38;
	[tilespmem:$0xC480] =	vst v63  }
0x269: {  	s23 =	sadd.s32 $0x180, s19;
	s24 =	simm.s32 $0x9380  }
0x26a: {  	[hbm4b:s23+s2] =	stream.linear.scatter [tilespmem:s24], [sflag:$0x1], $0x80, $0x38;
	[tilespmem:$0xC480] =	vst v63  }
0x26b: {  	s25 =	sadd.s32 $0x200, s19;
	s31 =	simm.s32 $0x9780  }
0x26c: {  	[hbm4b:s25+s2] =	stream.linear.scatter [tilespmem:s31], [sflag:$0x1], $0x80, $0x38;
	[tilespmem:$0xC480] =	vst v63  }
0x26d: {  	s23 =	sadd.s32 $0x280, s19;
	s24 =	simm.s32 $0x9B80  }
0x26e: {  	[hbm4b:s23+s2] =	stream.linear.scatter [tilespmem:s24], [sflag:$0x1], $0x80, $0x38;
	[tilespmem:$0xC480] =	vst v63  }
0x26f: {  	s25 =	sadd.s32 $0x300, s19;
	s31 =	simm.s32 $0x9F80  }
0x270: {  	[hbm4b:s25+s2] =	stream.linear.scatter [tilespmem:s31], [sflag:$0x1], $0x80, $0x38;
	[tilespmem:$0xC480] =	vst v63  }
0x271: {  	s23 =	sadd.s32 $0x380, s19;
	s24 =	simm.s32 $0xA380  }
0x272: {  	[hbm4b:s23+s2] =	stream.linear.scatter [tilespmem:s24], [sflag:$0x1], $0x80, $0x38;
	[tilespmem:$0xC480] =	vst v63  }
0x273: {  	s25 =	sadd.s32 $0x400, s19;
	s31 =	simm.s32 $0xA780  }
0x274: {  	[hbm4b:s25+s2] =	stream.linear.scatter [tilespmem:s31], [sflag:$0x1], $0x80, $0x38;
	[tilespmem:$0xC480] =	vst v63  }
0x275: {  	s23 =	sadd.s32 $0x480, s19;
	s24 =	simm.s32 $0xAB80  }
0x276: {  	[hbm4b:s23+s2] =	stream.linear.scatter [tilespmem:s24], [sflag:$0x1], $0x80, $0x38;
	[tilespmem:$0xC480] =	vst v63  }
0x277: {  	s25 =	sadd.s32 $0x500, s19;
	s31 =	simm.s32 $0xAF80  }
0x278: {  	[hbm4b:s25+s2] =	stream.linear.scatter [tilespmem:s31], [sflag:$0x1], $0x80, $0x38;
	[tilespmem:$0xC480] =	vst v63  }
0x279: {  	s23 =	sadd.s32 $0x580, s19;
	s24 =	simm.s32 $0xB380  }
0x27a: {  	[hbm4b:s23+s2] =	stream.linear.scatter [tilespmem:s24], [sflag:$0x1], $0x80, $0x38;
	[tilespmem:$0xC480] =	vst v63  }
0x27b: {  	s25 =	sadd.s32 $0x600, s19;
	s31 =	simm.s32 $0xB780  }
0x27c: {  	[hbm4b:s25+s2] =	stream.linear.scatter [tilespmem:s31], [sflag:$0x1], $0x80, $0x38;
	[tilespmem:$0xC480] =	vst v63  }
0x27d: {  	s23 =	sadd.s32 $0x680, s19;
	s24 =	simm.s32 $0xBB80  }
0x27e: {  	[hbm4b:s23+s2] =	stream.linear.scatter [tilespmem:s24], [sflag:$0x1], $0x80, $0x38;
	[tilespmem:$0xC480] =	vst v63  }
0x27f: {  	s25 =	sadd.s32 $0x700, s19;
	s31 =	simm.s32 $0xBF80  }
0x280: {  	[hbm4b:s25+s2] =	stream.linear.scatter [tilespmem:s31], [sflag:$0x1], $0x80, $0x38;
	[tilespmem:$0xC480] =	vst v63  }
0x281: {  	s1 =	sadd.s32 $0x780, s19;
	s23 =	simm.s32 $0xC380  }
0x282: {  	[hbm4b:s1+s2] =	stream.linear.scatter [tilespmem:s23], [sflag:$0x1], $0x80, $0x38;
	[tilespmem:$0xC480] =	vst v63  }
0x283: {  	_ =	swait.ge [sflag:s22], $0x800  }
0x284: {  	[sflag:s22] =	ssyncset.done $0x0  }
0x285: {  	s24 =	simm.s32 $0x8800;
	[sflag:s22] =	ssyncadd.s32 $0xFFFFF800  }
0x286: {  	[hbm4b:s20+s2] =	stream.linear.scatter [tilespmem:s24], [sflag:$0x1], $0x80, $0x38;
	[tilespmem:$0xC480] =	vst v63  }
0x287: {  	s25 =	sadd.s32 $0x80, s20;
	s31 =	simm.s32 $0x8C00  }
0x288: {  	[hbm4b:s25+s2] =	stream.linear.scatter [tilespmem:s31], [sflag:$0x1], $0x80, $0x38;
	[tilespmem:$0xC480] =	vst v63  }
0x289: {  	s23 =	sadd.s32 $0x100, s20;
	s24 =	simm.s32 $0x9000  }
0x28a: {  	[hbm4b:s23+s2] =	stream.linear.scatter [tilespmem:s24], [sflag:$0x1], $0x80, $0x38;
	[tilespmem:$0xC480] =	vst v63  }
0x28b: {  	s25 =	sadd.s32 $0x180, s20;
	s31 =	simm.s32 $0x9400  }
0x28c: {  	[hbm4b:s25+s2] =	stream.linear.scatter [tilespmem:s31], [sflag:$0x1], $0x80, $0x38;
	[tilespmem:$0xC480] =	vst v63  }
0x28d: {  	s23 =	sadd.s32 $0x200, s20;
	s24 =	simm.s32 $0x9800  }
0x28e: {  	[hbm4b:s23+s2] =	stream.linear.scatter [tilespmem:s24], [sflag:$0x1], $0x80, $0x38;
	[tilespmem:$0xC480] =	vst v63  }
0x28f: {  	s25 =	sadd.s32 $0x280, s20;
	s31 =	simm.s32 $0x9C00  }
0x290: {  	[hbm4b:s25+s2] =	stream.linear.scatter [tilespmem:s31], [sflag:$0x1], $0x80, $0x38;
	[tilespmem:$0xC480] =	vst v63  }
0x291: {  	s23 =	sadd.s32 $0x300, s20;
	s24 =	simm.s32 $0xA000  }
0x292: {  	[hbm4b:s23+s2] =	stream.linear.scatter [tilespmem:s24], [sflag:$0x1], $0x80, $0x38;
	[tilespmem:$0xC480] =	vst v63  }
0x293: {  	s25 =	sadd.s32 $0x380, s20;
	s31 =	simm.s32 $0xA400  }
0x294: {  	[hbm4b:s25+s2] =	stream.linear.scatter [tilespmem:s31], [sflag:$0x1], $0x80, $0x38;
	[tilespmem:$0xC480] =	vst v63  }
0x295: {  	s23 =	sadd.s32 $0x400, s20;
	s24 =	simm.s32 $0xA800  }
0x296: {  	[hbm4b:s23+s2] =	stream.linear.scatter [tilespmem:s24], [sflag:$0x1], $0x80, $0x38;
	[tilespmem:$0xC480] =	vst v63  }
0x297: {  	s25 =	sadd.s32 $0x480, s20;
	s31 =	simm.s32 $0xAC00  }
0x298: {  	[hbm4b:s25+s2] =	stream.linear.scatter [tilespmem:s31], [sflag:$0x1], $0x80, $0x38;
	[tilespmem:$0xC480] =	vst v63  }
0x299: {  	s23 =	sadd.s32 $0x500, s20;
	s24 =	simm.s32 $0xB000  }
0x29a: {  	[hbm4b:s23+s2] =	stream.linear.scatter [tilespmem:s24], [sflag:$0x1], $0x80, $0x38;
	[tilespmem:$0xC480] =	vst v63  }
0x29b: {  	s25 =	sadd.s32 $0x580, s20;
	s31 =	simm.s32 $0xB400  }
0x29c: {  	[hbm4b:s25+s2] =	stream.linear.scatter [tilespmem:s31], [sflag:$0x1], $0x80, $0x38;
	[tilespmem:$0xC480] =	vst v63  }
0x29d: {  	s1 =	sadd.s32 $0x600, s20;
	s23 =	simm.s32 $0xB800  }
0x29e: {  	[hbm4b:s1+s2] =	stream.linear.scatter [tilespmem:s23], [sflag:$0x1], $0x80, $0x38;
	[tilespmem:$0xC480] =	vst v63  }
0x29f: {  	s30 =	sadd.s32 $0x1, s30;
	s24 =	sadd.s32 $0x680, s20  }
0x2a0: {  	[hbm4b:s24+s2] =	stream.linear.scatter [tilespmem:s26], [sflag:$0x1], $0x80, $0x38;
	[tilespmem:$0xC480] =	vst v63  }
0x2a1: {  	p0 =	sne.s32 s30, s21;
	s25 =	sadd.s32 $0x700, s20  }
0x2a2: {  	[hbm4b:s25+s2] =	stream.linear.scatter [tilespmem:s28], [sflag:$0x1], $0x80, $0x38;
	[tilespmem:$0xC480] =	vst v63  }
.Ltmp1:
0x2a3: {  	s31 =	sadd.s32 $0x780, s20;
	(pc) =	sbr.rel @p0 .LBB2_1-.Ltmp1, $4  }
0x2a4: {  	[hbm4b:s31+s2] =	stream.linear.scatter [tilespmem:s29], [sflag:$0x1], $0x80, $0x38;
	[tilespmem:$0xC480] =	vst v63  }
0x2a5: {  	_ =	swait.ge [sflag:s22], $0x800  }
0x2a6: {  	[sflag:s22] =	ssyncset.done $0x0  }
0x2a7: {  	[sflag:s22] =	ssyncadd.s32 $0xFFFFF800  }
0x2a8: {  	_ =	sfence.sel $0x180000  }
0x2a9: {  	[bflag:$0x0] =	sbarrier.arrive $0xFFFF  }
0x2aa: {  	_ =	strace $0x90000047  }
0x2ab: {  	s0 =	stileid.u32;
	[bflag:$0x2] =	sbarrier.arrive $0xFFFF  }
0x2ac: {  	p0 =	sne.s32 s0, $0x0;
	s0 =	rddreg [dreg:$0x2]  }
0x2ad: {  	s0 =	sadd.s32 @!p0 $0x100000, s0  }
0x2ae: {  	[sflag:s0] =	ssyncadd.tile.s32 @!p0 $0x1;
	_ =	shalt  }
.Lfunc_end2:
_tile_overlayer_lowered:
.L_overlay_start_2:
0x2af: {  	(tag) =	ssettag $0x2  }
0x2b0: {  	s0 =	rddreg [dreg:$0x0];
	s2 =	stileid.u32  }
0x2b1: {  	s1 =	rddreg [dreg:$0x1];
	p0 =	sne.s32 s2, $0x0  }
0x2b2: {  	s3 =	rddreg [dreg:$0x2];
	[bflag:$0x3] =	sbarrier.arrive $0xFFFF;
	s2 =	simm.s32 @!p0 $0x1C01  }
0x2b3: {  	[timem:s3], [sflag:s2] =	dma.local @!p0 [hbm:s0], s1  }
0x2b4: {  	s0 =	simm.s32 @!p0 $0x1  }
0x2b5: {  	_ =	swait.ge @!p0 [sflag:s0], s1  }
0x2b6: {  	s1 =	ssub.s32 @!p0 $0x0, s1;
	[sflag:s0] =	ssyncset.done @!p0 $0x0  }
0x2b7: {  	[sflag:s0] =	ssyncadd.s32 @!p0 s1  }
0x2b8: {  	[bflag:$0x3] =	sbarrier.arrive $0xFFFF  }
0x2b9: {  	_ =	shalt  }

</sc_bundles>
